<compile_context>
chip_gen: v7x
topology: tpu7x:2x2x1
jax: 0.10.2.dev20260603
libtpu: 0.0.44.dev20260713+nightly
codegen_flags: <defaults>
</compile_context>

<pallas_src>
import functools

import jax
import jax.numpy as jnp
from jax import lax
from jax.experimental import pallas as pl
from jax.experimental.pallas import tpu as pltpu
from jax.experimental.pallas import tpu_sc as plsc

_T_AGENT_OF_INTEREST = 0
_T_AGENT_NO = 1
_T_AGENT_CAR = 2
_T_ROUTE = 3
_T_LANE_CENTER = 4
_T_BOUND = 5

_NUM_CORES = 2
_NUM_SUBCORES = 16
_NW = _NUM_CORES * _NUM_SUBCORES
_LANES = 16


@functools.lru_cache(maxsize=None)
def _build_sc_call(batch, total_len, dim, segments):
    bpw = batch // _NW
    n_lane_chunks = dim // _LANES
    mesh = plsc.VectorSubcoreMesh(core_axis_name="c", subcore_axis_name="s")

    def body(emb_hbm, out_hbm, emb_v, pat_v, sem):
        cid = lax.axis_index("c")
        sid = lax.axis_index("s")
        wid = sid * _NUM_CORES + cid

        pltpu.sync_copy(emb_hbm, emb_v)

        for start, seg_len, t in segments:
            row = [emb_v[t, pl.ds(j * _LANES, _LANES)]
                   for j in range(n_lane_chunks)]
            if seg_len == 1:
                for j in range(n_lane_chunks):
                    pat_v[start, pl.ds(j * _LANES, _LANES)] = row[j]
            else:
                def fill(i, _, start=start, row=row):
                    for j in range(n_lane_chunks):
                        pat_v[start + i, pl.ds(j * _LANES, _LANES)] = row[j]
                    return 0
                lax.fori_loop(0, seg_len, fill, 0, unroll=4)

        copies = [pltpu.async_copy(pat_v, out_hbm.at[wid + i * _NW], sem)
                  for i in range(bpw)]
        for cp in copies:
            cp.wait()

    return pl.kernel(
        body,
        out_type=jax.ShapeDtypeStruct((batch, total_len, dim), jnp.float32),
        mesh=mesh,
        scratch_types=[
            pltpu.VMEM((6, dim), jnp.float32),
            pltpu.VMEM((total_len, dim), jnp.float32),
            pltpu.SemaphoreType.DMA,
        ],
    )


def kernel(ego, obs, lane, bound, embedding):
    batch = ego.shape[0]
    other_agents_len = obs.shape[1]
    route_len = 1
    lanes_len = lane.shape[1]
    bounds_len = bound.shape[1]
    total_len = 1 + other_agents_len + route_len + lanes_len + bounds_len
    dim = embedding.shape[1]

    other_start = 1
    route_start = other_start + other_agents_len
    lanes_start = route_start + route_len
    bounds_start = lanes_start + lanes_len
    segments = (
        (0, 1, _T_AGENT_OF_INTEREST),
        (other_start, other_agents_len, _T_AGENT_CAR),
        (route_start, route_len, _T_ROUTE),
        (lanes_start, lanes_len, _T_LANE_CENTER),
        (bounds_start, bounds_len, _T_BOUND),
    )

    return _build_sc_call(batch, total_len, dim, segments)(embedding)

# --- scband reference (transcript-rebuilt; emitter-appended) ---
"""Pipeline reference for scband-vectorized-embedding-747324309662 (READ-ONLY COPY).

The authoritative reference and input builder live on the scoring server;
editing this copy changes nothing except your own understanding.
"""

import jax, jax.numpy as jnp
import numpy as np

POLYLINE_TYPES = {'AGENT_OF_INTEREST': 0, 'AGENT_NO': 1, 'AGENT_CAR': 2, 'ROUTE': 3, 'LANE_CENTER': 4, 'BOUND': 5}
DIM_EMBEDDING = 128

def setup_inputs(seed: int = 0) -> dict:
    key = jax.random.key(seed)
    k1, k2, k3, k4, k5 = jax.random.split(key, 5)
    ego = jax.random.normal(k1, (1024, 10), dtype=jnp.float32)
    obs = jax.random.normal(k2, (1024, 64, 10), dtype=jnp.float32)
    lane = jax.random.normal(k3, (1024, 100, 20), dtype=jnp.float32)
    bound = jax.random.normal(k4, (1024, 40, 20), dtype=jnp.float32)
    embedding = jax.random.normal(k5, (len(POLYLINE_TYPES), DIM_EMBEDDING), dtype=jnp.float32)
    return {'ego': ego, 'obs': obs, 'lane': lane, 'bound': bound, 'embedding': embedding}

def reference(ego, obs, lane, bound, embedding):
    batch_size = ego.shape[0]
    other_agents_len = obs.shape[1]
    route_len = 1
    lanes_len = lane.shape[1]
    bounds_len = bound.shape[1]
    total_len = 1 + other_agents_len + route_len + lanes_len + bounds_len
    other_agents_start_idx = 1
    route_start_index = other_agents_start_idx + other_agents_len
    lanes_start_idx = route_start_index + route_len
    bounds_start_idx = lanes_start_idx + lanes_len
    indices = jnp.full((batch_size, total_len), POLYLINE_TYPES['AGENT_NO'], dtype=jnp.int32)
    indices = indices.at[:, 0].set(POLYLINE_TYPES['AGENT_OF_INTEREST'])
    indices = indices.at[:, other_agents_start_idx:route_start_index].set(POLYLINE_TYPES['AGENT_CAR'])
    indices = indices.at[:, route_start_index:lanes_start_idx].set(POLYLINE_TYPES['ROUTE'])
    indices = indices.at[:, lanes_start_idx:bounds_start_idx].set(POLYLINE_TYPES['LANE_CENTER'])
    indices = indices.at[:, bounds_start_idx:].set(POLYLINE_TYPES['BOUND'])
    return jnp.take(embedding, indices, axis=0)

if __name__ == "__main__":
    import jax
    _d = setup_inputs()
    print(jax.jit(kernel)(*tuple(_d.values())))

</pallas_src>

<mosaic_0001>
#map = affine_map<(d0, d1) -> (0, 0)>
#map1 = affine_map<(d0, d1) -> (0, 0, 0)>
module attributes {stable_mosaic.version = 14 : i64} {
  func.func @body(%arg0: i32, %arg1: i32, %arg2: memref<6x128xf32, #tpu.memory_space<hbm>>, %arg3: memref<1024x206x128xf32, #tpu.memory_space<hbm>>, %arg4: memref<6x128xf32, #tpu.memory_space<vmem>>, %arg5: memref<206x128xf32, #tpu.memory_space<vmem>>, %arg6: memref<!tpu.dma_semaphore, #tpu.memory_space<semaphore_mem>>) attributes {dimension_semantics = [#tpu.dimension_semantics<core_parallel>, #tpu.dimension_semantics<subcore_parallel>], iteration_bounds = array<i64: 2, 16>, scalar_prefetch = 0 : i64, scratch_operands = 3 : i64, tpu.core_type = #tpu.core_type<sc_vector_subcore>, window_params = [{transform_indices = #map}, {transform_indices = #map1}]} {
    %mul3A = arith.constant 2 : i32
    %mul3A_0 = arith.muli %arg1, %mul3A : i32
    %add3A = arith.addi %mul3A_0, %arg0 : i32
    "tpu.region"() ({
      %run_scoped3A = tpu.sem_alloc : memref<!tpu.dma_semaphore, #tpu.memory_space<semaphore_mem>>
      tpu.enqueue_dma source(%arg2 : memref<6x128xf32, #tpu.memory_space<hbm>>) target(%arg4 : memref<6x128xf32, #tpu.memory_space<vmem>>) target_semaphore(%run_scoped3A : memref<!tpu.dma_semaphore, #tpu.memory_space<semaphore_mem>>)
      tpu.wait_dma2 semaphore(%run_scoped3A : memref<!tpu.dma_semaphore, #tpu.memory_space<semaphore_mem>>) src(%arg2 : memref<6x128xf32, #tpu.memory_space<hbm>>) dst(%arg4 : memref<6x128xf32, #tpu.memory_space<vmem>>)
      tpu.yield
    }) : () -> ()
    %get3A = arith.constant 0 : i32
    %get3A_1 = arith.index_cast %get3A : i32 to index
    %get3A_2 = arith.constant 0 : index
    %get3A_3 = tpu.vector_load %arg4[%get3A_1, %get3A_2] {strides = array<i32>} : memref<6x128xf32, #tpu.memory_space<vmem>>, vector<1x16xf32>,
    %get3A_4 = vector.shape_cast %get3A_3 : vector<1x16xf32> to vector<16xf32>
    %get3A_5 = arith.constant 0 : i32
    %get3A_6 = arith.index_cast %get3A_5 : i32 to index
    %get3A_7 = arith.constant 16 : index
    %get3A_8 = tpu.vector_load %arg4[%get3A_6, %get3A_7] {strides = array<i32>} : memref<6x128xf32, #tpu.memory_space<vmem>>, vector<1x16xf32>,
    %get3A_9 = vector.shape_cast %get3A_8 : vector<1x16xf32> to vector<16xf32>
    %get3A_10 = arith.constant 0 : i32
    %get3A_11 = arith.index_cast %get3A_10 : i32 to index
    %get3A_12 = arith.constant 32 : index
    %get3A_13 = tpu.vector_load %arg4[%get3A_11, %get3A_12] {strides = array<i32>} : memref<6x128xf32, #tpu.memory_space<vmem>>, vector<1x16xf32>,
    %get3A_14 = vector.shape_cast %get3A_13 : vector<1x16xf32> to vector<16xf32>
    %get3A_15 = arith.constant 0 : i32
    %get3A_16 = arith.index_cast %get3A_15 : i32 to index
    %get3A_17 = arith.constant 48 : index
    %get3A_18 = tpu.vector_load %arg4[%get3A_16, %get3A_17] {strides = array<i32>} : memref<6x128xf32, #tpu.memory_space<vmem>>, vector<1x16xf32>,
    %get3A_19 = vector.shape_cast %get3A_18 : vector<1x16xf32> to vector<16xf32>
    %get3A_20 = arith.constant 0 : i32
    %get3A_21 = arith.index_cast %get3A_20 : i32 to index
    %get3A_22 = arith.constant 64 : index
    %get3A_23 = tpu.vector_load %arg4[%get3A_21, %get3A_22] {strides = array<i32>} : memref<6x128xf32, #tpu.memory_space<vmem>>, vector<1x16xf32>,
    %get3A_24 = vector.shape_cast %get3A_23 : vector<1x16xf32> to vector<16xf32>
    %get3A_25 = arith.constant 0 : i32
    %get3A_26 = arith.index_cast %get3A_25 : i32 to index
    %get3A_27 = arith.constant 80 : index
    %get3A_28 = tpu.vector_load %arg4[%get3A_26, %get3A_27] {strides = array<i32>} : memref<6x128xf32, #tpu.memory_space<vmem>>, vector<1x16xf32>,
    %get3A_29 = vector.shape_cast %get3A_28 : vector<1x16xf32> to vector<16xf32>
    %get3A_30 = arith.constant 0 : i32
    %get3A_31 = arith.index_cast %get3A_30 : i32 to index
    %get3A_32 = arith.constant 96 : index
    %get3A_33 = tpu.vector_load %arg4[%get3A_31, %get3A_32] {strides = array<i32>} : memref<6x128xf32, #tpu.memory_space<vmem>>, vector<1x16xf32>,
    %get3A_34 = vector.shape_cast %get3A_33 : vector<1x16xf32> to vector<16xf32>
    %get3A_35 = arith.constant 0 : i32
    %get3A_36 = arith.index_cast %get3A_35 : i32 to index
    %get3A_37 = arith.constant 112 : index
    %get3A_38 = tpu.vector_load %arg4[%get3A_36, %get3A_37] {strides = array<i32>} : memref<6x128xf32, #tpu.memory_space<vmem>>, vector<1x16xf32>,
    %get3A_39 = vector.shape_cast %get3A_38 : vector<1x16xf32> to vector<16xf32>
    %swap3A = arith.constant 0 : i32
    %swap3A_40 = arith.index_cast %swap3A : i32 to index
    %swap3A_41 = arith.constant 0 : index
    %swap3A_42 = tpu.vector_load %arg5[%swap3A_40, %swap3A_41] {strides = array<i32>} : memref<206x128xf32, #tpu.memory_space<vmem>>, vector<1x16xf32>,
    %swap3A_43 = vector.shape_cast %swap3A_42 : vector<1x16xf32> to vector<16xf32>
    %swap3A_44 = vector.shape_cast %get3A_4 : vector<16xf32> to vector<1x16xf32>
    tpu.vector_store %arg5[%swap3A_40, %swap3A_41], %swap3A_44 {strides = array<i32>} : memref<206x128xf32, #tpu.memory_space<vmem>>, vector<1x16xf32>,
    %swap3A_45 = arith.constant 0 : i32
    %swap3A_46 = arith.index_cast %swap3A_45 : i32 to index
    %swap3A_47 = arith.constant 16 : index
    %swap3A_48 = tpu.vector_load %arg5[%swap3A_46, %swap3A_47] {strides = array<i32>} : memref<206x128xf32, #tpu.memory_space<vmem>>, vector<1x16xf32>,
    %swap3A_49 = vector.shape_cast %swap3A_48 : vector<1x16xf32> to vector<16xf32>
    %swap3A_50 = vector.shape_cast %get3A_9 : vector<16xf32> to vector<1x16xf32>
    tpu.vector_store %arg5[%swap3A_46, %swap3A_47], %swap3A_50 {strides = array<i32>} : memref<206x128xf32, #tpu.memory_space<vmem>>, vector<1x16xf32>,
    %swap3A_51 = arith.constant 0 : i32
    %swap3A_52 = arith.index_cast %swap3A_51 : i32 to index
    %swap3A_53 = arith.constant 32 : index
    %swap3A_54 = tpu.vector_load %arg5[%swap3A_52, %swap3A_53] {strides = array<i32>} : memref<206x128xf32, #tpu.memory_space<vmem>>, vector<1x16xf32>,
    %swap3A_55 = vector.shape_cast %swap3A_54 : vector<1x16xf32> to vector<16xf32>
    %swap3A_56 = vector.shape_cast %get3A_14 : vector<16xf32> to vector<1x16xf32>
    tpu.vector_store %arg5[%swap3A_52, %swap3A_53], %swap3A_56 {strides = array<i32>} : memref<206x128xf32, #tpu.memory_space<vmem>>, vector<1x16xf32>,
    %swap3A_57 = arith.constant 0 : i32
    %swap3A_58 = arith.index_cast %swap3A_57 : i32 to index
    %swap3A_59 = arith.constant 48 : index
    %swap3A_60 = tpu.vector_load %arg5[%swap3A_58, %swap3A_59] {strides = array<i32>} : memref<206x128xf32, #tpu.memory_space<vmem>>, vector<1x16xf32>,
    %swap3A_61 = vector.shape_cast %swap3A_60 : vector<1x16xf32> to vector<16xf32>
    %swap3A_62 = vector.shape_cast %get3A_19 : vector<16xf32> to vector<1x16xf32>
    tpu.vector_store %arg5[%swap3A_58, %swap3A_59], %swap3A_62 {strides = array<i32>} : memref<206x128xf32, #tpu.memory_space<vmem>>, vector<1x16xf32>,
    %swap3A_63 = arith.constant 0 : i32
    %swap3A_64 = arith.index_cast %swap3A_63 : i32 to index
    %swap3A_65 = arith.constant 64 : index
    %swap3A_66 = tpu.vector_load %arg5[%swap3A_64, %swap3A_65] {strides = array<i32>} : memref<206x128xf32, #tpu.memory_space<vmem>>, vector<1x16xf32>,
    %swap3A_67 = vector.shape_cast %swap3A_66 : vector<1x16xf32> to vector<16xf32>
    %swap3A_68 = vector.shape_cast %get3A_24 : vector<16xf32> to vector<1x16xf32>
    tpu.vector_store %arg5[%swap3A_64, %swap3A_65], %swap3A_68 {strides = array<i32>} : memref<206x128xf32, #tpu.memory_space<vmem>>, vector<1x16xf32>,
    %swap3A_69 = arith.constant 0 : i32
    %swap3A_70 = arith.index_cast %swap3A_69 : i32 to index
    %swap3A_71 = arith.constant 80 : index
    %swap3A_72 = tpu.vector_load %arg5[%swap3A_70, %swap3A_71] {strides = array<i32>} : memref<206x128xf32, #tpu.memory_space<vmem>>, vector<1x16xf32>,
    %swap3A_73 = vector.shape_cast %swap3A_72 : vector<1x16xf32> to vector<16xf32>
    %swap3A_74 = vector.shape_cast %get3A_29 : vector<16xf32> to vector<1x16xf32>
    tpu.vector_store %arg5[%swap3A_70, %swap3A_71], %swap3A_74 {strides = array<i32>} : memref<206x128xf32, #tpu.memory_space<vmem>>, vector<1x16xf32>,
    %swap3A_75 = arith.constant 0 : i32
    %swap3A_76 = arith.index_cast %swap3A_75 : i32 to index
    %swap3A_77 = arith.constant 96 : index
    %swap3A_78 = tpu.vector_load %arg5[%swap3A_76, %swap3A_77] {strides = array<i32>} : memref<206x128xf32, #tpu.memory_space<vmem>>, vector<1x16xf32>,
    %swap3A_79 = vector.shape_cast %swap3A_78 : vector<1x16xf32> to vector<16xf32>
    %swap3A_80 = vector.shape_cast %get3A_34 : vector<16xf32> to vector<1x16xf32>
    tpu.vector_store %arg5[%swap3A_76, %swap3A_77], %swap3A_80 {strides = array<i32>} : memref<206x128xf32, #tpu.memory_space<vmem>>, vector<1x16xf32>,
    %swap3A_81 = arith.constant 0 : i32
    %swap3A_82 = arith.index_cast %swap3A_81 : i32 to index
    %swap3A_83 = arith.constant 112 : index
    %swap3A_84 = tpu.vector_load %arg5[%swap3A_82, %swap3A_83] {strides = array<i32>} : memref<206x128xf32, #tpu.memory_space<vmem>>, vector<1x16xf32>,
    %swap3A_85 = vector.shape_cast %swap3A_84 : vector<1x16xf32> to vector<16xf32>
    %swap3A_86 = vector.shape_cast %get3A_39 : vector<16xf32> to vector<1x16xf32>
    tpu.vector_store %arg5[%swap3A_82, %swap3A_83], %swap3A_86 {strides = array<i32>} : memref<206x128xf32, #tpu.memory_space<vmem>>, vector<1x16xf32>,
    %get3A_87 = arith.constant 2 : i32
    %get3A_88 = arith.index_cast %get3A_87 : i32 to index
    %get3A_89 = arith.constant 0 : index
    %get3A_90 = tpu.vector_load %arg4[%get3A_88, %get3A_89] {strides = array<i32>} : memref<6x128xf32, #tpu.memory_space<vmem>>, vector<1x16xf32>,
    %get3A_91 = vector.shape_cast %get3A_90 : vector<1x16xf32> to vector<16xf32>
    %get3A_92 = arith.constant 2 : i32
    %get3A_93 = arith.index_cast %get3A_92 : i32 to index
    %get3A_94 = arith.constant 16 : index
    %get3A_95 = tpu.vector_load %arg4[%get3A_93, %get3A_94] {strides = array<i32>} : memref<6x128xf32, #tpu.memory_space<vmem>>, vector<1x16xf32>,
    %get3A_96 = vector.shape_cast %get3A_95 : vector<1x16xf32> to vector<16xf32>
    %get3A_97 = arith.constant 2 : i32
    %get3A_98 = arith.index_cast %get3A_97 : i32 to index
    %get3A_99 = arith.constant 32 : index
    %get3A_100 = tpu.vector_load %arg4[%get3A_98, %get3A_99] {strides = array<i32>} : memref<6x128xf32, #tpu.memory_space<vmem>>, vector<1x16xf32>,
    %get3A_101 = vector.shape_cast %get3A_100 : vector<1x16xf32> to vector<16xf32>
    %get3A_102 = arith.constant 2 : i32
    %get3A_103 = arith.index_cast %get3A_102 : i32 to index
    %get3A_104 = arith.constant 48 : index
    %get3A_105 = tpu.vector_load %arg4[%get3A_103, %get3A_104] {strides = array<i32>} : memref<6x128xf32, #tpu.memory_space<vmem>>, vector<1x16xf32>,
    %get3A_106 = vector.shape_cast %get3A_105 : vector<1x16xf32> to vector<16xf32>
    %get3A_107 = arith.constant 2 : i32
    %get3A_108 = arith.index_cast %get3A_107 : i32 to index
    %get3A_109 = arith.constant 64 : index
    %get3A_110 = tpu.vector_load %arg4[%get3A_108, %get3A_109] {strides = array<i32>} : memref<6x128xf32, #tpu.memory_space<vmem>>, vector<1x16xf32>,
    %get3A_111 = vector.shape_cast %get3A_110 : vector<1x16xf32> to vector<16xf32>
    %get3A_112 = arith.constant 2 : i32
    %get3A_113 = arith.index_cast %get3A_112 : i32 to index
    %get3A_114 = arith.constant 80 : index
    %get3A_115 = tpu.vector_load %arg4[%get3A_113, %get3A_114] {strides = array<i32>} : memref<6x128xf32, #tpu.memory_space<vmem>>, vector<1x16xf32>,
    %get3A_116 = vector.shape_cast %get3A_115 : vector<1x16xf32> to vector<16xf32>
    %get3A_117 = arith.constant 2 : i32
    %get3A_118 = arith.index_cast %get3A_117 : i32 to index
    %get3A_119 = arith.constant 96 : index
    %get3A_120 = tpu.vector_load %arg4[%get3A_118, %get3A_119] {strides = array<i32>} : memref<6x128xf32, #tpu.memory_space<vmem>>, vector<1x16xf32>,
    %get3A_121 = vector.shape_cast %get3A_120 : vector<1x16xf32> to vector<16xf32>
    %get3A_122 = arith.constant 2 : i32
    %get3A_123 = arith.index_cast %get3A_122 : i32 to index
    %get3A_124 = arith.constant 112 : index
    %get3A_125 = tpu.vector_load %arg4[%get3A_123, %get3A_124] {strides = array<i32>} : memref<6x128xf32, #tpu.memory_space<vmem>>, vector<1x16xf32>,
    %get3A_126 = vector.shape_cast %get3A_125 : vector<1x16xf32> to vector<16xf32>
    %scan3A = arith.constant 0 : i32
    %scan3A_127 = arith.constant 0 : i32
    %scan3A_128 = arith.constant 64 : i32
    %scan3A_129 = arith.addi %scan3A_127, %scan3A_128 : i32
    %scan3A_130 = arith.constant 4 : i32
    %scan3A_131 = scf.for %scan3A_889 = %scan3A_127 to %scan3A_129 step %scan3A_130 iter_args(%scan3A_890 = %scan3A) -> (i32)  : i32 {
      %add3A_891 = arith.constant 1 : i32
      %add3A_892 = arith.addi %add3A_891, %scan3A_889 : i32
      %swap3A_893 = arith.index_cast %add3A_892 : i32 to index
      %swap3A_894 = arith.constant 0 : index
      %swap3A_895 = tpu.vector_load %arg5[%swap3A_893, %swap3A_894] {strides = array<i32>} : memref<206x128xf32, #tpu.memory_space<vmem>>, vector<1x16xf32>,
      %swap3A_896 = vector.shape_cast %swap3A_895 : vector<1x16xf32> to vector<16xf32>
      %swap3A_897 = vector.shape_cast %get3A_91 : vector<16xf32> to vector<1x16xf32>
      tpu.vector_store %arg5[%swap3A_893, %swap3A_894], %swap3A_897 {strides = array<i32>} : memref<206x128xf32, #tpu.memory_space<vmem>>, vector<1x16xf32>,
      %add3A_898 = arith.constant 1 : i32
      %add3A_899 = arith.addi %add3A_898, %scan3A_889 : i32
      %swap3A_900 = arith.index_cast %add3A_899 : i32 to index
      %swap3A_901 = arith.constant 16 : index
      %swap3A_902 = tpu.vector_load %arg5[%swap3A_900, %swap3A_901] {strides = array<i32>} : memref<206x128xf32, #tpu.memory_space<vmem>>, vector<1x16xf32>,
      %swap3A_903 = vector.shape_cast %swap3A_902 : vector<1x16xf32> to vector<16xf32>
      %swap3A_904 = vector.shape_cast %get3A_96 : vector<16xf32> to vector<1x16xf32>
      tpu.vector_store %arg5[%swap3A_900, %swap3A_901], %swap3A_904 {strides = array<i32>} : memref<206x128xf32, #tpu.memory_space<vmem>>, vector<1x16xf32>,
      %add3A_905 = arith.constant 1 : i32
      %add3A_906 = arith.addi %add3A_905, %scan3A_889 : i32
      %swap3A_907 = arith.index_cast %add3A_906 : i32 to index
      %swap3A_908 = arith.constant 32 : index
      %swap3A_909 = tpu.vector_load %arg5[%swap3A_907, %swap3A_908] {strides = array<i32>} : memref<206x128xf32, #tpu.memory_space<vmem>>, vector<1x16xf32>,
      %swap3A_910 = vector.shape_cast %swap3A_909 : vector<1x16xf32> to vector<16xf32>
      %swap3A_911 = vector.shape_cast %get3A_101 : vector<16xf32> to vector<1x16xf32>
      tpu.vector_store %arg5[%swap3A_907, %swap3A_908], %swap3A_911 {strides = array<i32>} : memref<206x128xf32, #tpu.memory_space<vmem>>, vector<1x16xf32>,
      %add3A_912 = arith.constant 1 : i32
      %add3A_913 = arith.addi %add3A_912, %scan3A_889 : i32
      %swap3A_914 = arith.index_cast %add3A_913 : i32 to index
      %swap3A_915 = arith.constant 48 : index
      %swap3A_916 = tpu.vector_load %arg5[%swap3A_914, %swap3A_915] {strides = array<i32>} : memref<206x128xf32, #tpu.memory_space<vmem>>, vector<1x16xf32>,
      %swap3A_917 = vector.shape_cast %swap3A_916 : vector<1x16xf32> to vector<16xf32>
      %swap3A_918 = vector.shape_cast %get3A_106 : vector<16xf32> to vector<1x16xf32>
      tpu.vector_store %arg5[%swap3A_914, %swap3A_915], %swap3A_918 {strides = array<i32>} : memref<206x128xf32, #tpu.memory_space<vmem>>, vector<1x16xf32>,
      %add3A_919 = arith.constant 1 : i32
      %add3A_920 = arith.addi %add3A_919, %scan3A_889 : i32
      %swap3A_921 = arith.index_cast %add3A_920 : i32 to index
      %swap3A_922 = arith.constant 64 : index
      %swap3A_923 = tpu.vector_load %arg5[%swap3A_921, %swap3A_922] {strides = array<i32>} : memref<206x128xf32, #tpu.memory_space<vmem>>, vector<1x16xf32>,
      %swap3A_924 = vector.shape_cast %swap3A_923 : vector<1x16xf32> to vector<16xf32>
      %swap3A_925 = vector.shape_cast %get3A_111 : vector<16xf32> to vector<1x16xf32>
      tpu.vector_store %arg5[%swap3A_921, %swap3A_922], %swap3A_925 {strides = array<i32>} : memref<206x128xf32, #tpu.memory_space<vmem>>, vector<1x16xf32>,
      %add3A_926 = arith.constant 1 : i32
      %add3A_927 = arith.addi %add3A_926, %scan3A_889 : i32
      %swap3A_928 = arith.index_cast %add3A_927 : i32 to index
      %swap3A_929 = arith.constant 80 : index
      %swap3A_930 = tpu.vector_load %arg5[%swap3A_928, %swap3A_929] {strides = array<i32>} : memref<206x128xf32, #tpu.memory_space<vmem>>, vector<1x16xf32>,
      %swap3A_931 = vector.shape_cast %swap3A_930 : vector<1x16xf32> to vector<16xf32>
      %swap3A_932 = vector.shape_cast %get3A_116 : vector<16xf32> to vector<1x16xf32>
      tpu.vector_store %arg5[%swap3A_928, %swap3A_929], %swap3A_932 {strides = array<i32>} : memref<206x128xf32, #tpu.memory_space<vmem>>, vector<1x16xf32>,
      %add3A_933 = arith.constant 1 : i32
      %add3A_934 = arith.addi %add3A_933, %scan3A_889 : i32
      %swap3A_935 = arith.index_cast %add3A_934 : i32 to index
      %swap3A_936 = arith.constant 96 : index
      %swap3A_937 = tpu.vector_load %arg5[%swap3A_935, %swap3A_936] {strides = array<i32>} : memref<206x128xf32, #tpu.memory_space<vmem>>, vector<1x16xf32>,
      %swap3A_938 = vector.shape_cast %swap3A_937 : vector<1x16xf32> to vector<16xf32>
      %swap3A_939 = vector.shape_cast %get3A_121 : vector<16xf32> to vector<1x16xf32>
      tpu.vector_store %arg5[%swap3A_935, %swap3A_936], %swap3A_939 {strides = array<i32>} : memref<206x128xf32, #tpu.memory_space<vmem>>, vector<1x16xf32>,
      %add3A_940 = arith.constant 1 : i32
      %add3A_941 = arith.addi %add3A_940, %scan3A_889 : i32
      %swap3A_942 = arith.index_cast %add3A_941 : i32 to index
      %swap3A_943 = arith.constant 112 : index
      %swap3A_944 = tpu.vector_load %arg5[%swap3A_942, %swap3A_943] {strides = array<i32>} : memref<206x128xf32, #tpu.memory_space<vmem>>, vector<1x16xf32>,
      %swap3A_945 = vector.shape_cast %swap3A_944 : vector<1x16xf32> to vector<16xf32>
      %swap3A_946 = vector.shape_cast %get3A_126 : vector<16xf32> to vector<1x16xf32>
      tpu.vector_store %arg5[%swap3A_942, %swap3A_943], %swap3A_946 {strides = array<i32>} : memref<206x128xf32, #tpu.memory_space<vmem>>, vector<1x16xf32>,
      %scan3A_947 = arith.constant 0 : i32
      %scan3A_948 = arith.constant 1 : i32
      %scan3A_949 = arith.addi %scan3A_889, %scan3A_948 : i32
      %add3A_950 = arith.constant 1 : i32
      %add3A_951 = arith.addi %add3A_950, %scan3A_949 : i32
      %swap3A_952 = arith.index_cast %add3A_951 : i32 to index
      %swap3A_953 = arith.constant 0 : index
      %swap3A_954 = tpu.vector_load %arg5[%swap3A_952, %swap3A_953] {strides = array<i32>} : memref<206x128xf32, #tpu.memory_space<vmem>>, vector<1x16xf32>,
      %swap3A_955 = vector.shape_cast %swap3A_954 : vector<1x16xf32> to vector<16xf32>
      %swap3A_956 = vector.shape_cast %get3A_91 : vector<16xf32> to vector<1x16xf32>
      tpu.vector_store %arg5[%swap3A_952, %swap3A_953], %swap3A_956 {strides = array<i32>} : memref<206x128xf32, #tpu.memory_space<vmem>>, vector<1x16xf32>,
      %add3A_957 = arith.constant 1 : i32
      %add3A_958 = arith.addi %add3A_957, %scan3A_949 : i32
      %swap3A_959 = arith.index_cast %add3A_958 : i32 to index
      %swap3A_960 = arith.constant 16 : index
      %swap3A_961 = tpu.vector_load %arg5[%swap3A_959, %swap3A_960] {strides = array<i32>} : memref<206x128xf32, #tpu.memory_space<vmem>>, vector<1x16xf32>,
      %swap3A_962 = vector.shape_cast %swap3A_961 : vector<1x16xf32> to vector<16xf32>
      %swap3A_963 = vector.shape_cast %get3A_96 : vector<16xf32> to vector<1x16xf32>
      tpu.vector_store %arg5[%swap3A_959, %swap3A_960], %swap3A_963 {strides = array<i32>} : memref<206x128xf32, #tpu.memory_space<vmem>>, vector<1x16xf32>,
      %add3A_964 = arith.constant 1 : i32
      %add3A_965 = arith.addi %add3A_964, %scan3A_949 : i32
      %swap3A_966 = arith.index_cast %add3A_965 : i32 to index
      %swap3A_967 = arith.constant 32 : index
      %swap3A_968 = tpu.vector_load %arg5[%swap3A_966, %swap3A_967] {strides = array<i32>} : memref<206x128xf32, #tpu.memory_space<vmem>>, vector<1x16xf32>,
      %swap3A_969 = vector.shape_cast %swap3A_968 : vector<1x16xf32> to vector<16xf32>
      %swap3A_970 = vector.shape_cast %get3A_101 : vector<16xf32> to vector<1x16xf32>
      tpu.vector_store %arg5[%swap3A_966, %swap3A_967], %swap3A_970 {strides = array<i32>} : memref<206x128xf32, #tpu.memory_space<vmem>>, vector<1x16xf32>,
      %add3A_971 = arith.constant 1 : i32
      %add3A_972 = arith.addi %add3A_971, %scan3A_949 : i32
      %swap3A_973 = arith.index_cast %add3A_972 : i32 to index
      %swap3A_974 = arith.constant 48 : index
      %swap3A_975 = tpu.vector_load %arg5[%swap3A_973, %swap3A_974] {strides = array<i32>} : memref<206x128xf32, #tpu.memory_space<vmem>>, vector<1x16xf32>,
      %swap3A_976 = vector.shape_cast %swap3A_975 : vector<1x16xf32> to vector<16xf32>
      %swap3A_977 = vector.shape_cast %get3A_106 : vector<16xf32> to vector<1x16xf32>
      tpu.vector_store %arg5[%swap3A_973, %swap3A_974], %swap3A_977 {strides = array<i32>} : memref<206x128xf32, #tpu.memory_space<vmem>>, vector<1x16xf32>,
      %add3A_978 = arith.constant 1 : i32
      %add3A_979 = arith.addi %add3A_978, %scan3A_949 : i32
      %swap3A_980 = arith.index_cast %add3A_979 : i32 to index
      %swap3A_981 = arith.constant 64 : index
      %swap3A_982 = tpu.vector_load %arg5[%swap3A_980, %swap3A_981] {strides = array<i32>} : memref<206x128xf32, #tpu.memory_space<vmem>>, vector<1x16xf32>,
      %swap3A_983 = vector.shape_cast %swap3A_982 : vector<1x16xf32> to vector<16xf32>
      %swap3A_984 = vector.shape_cast %get3A_111 : vector<16xf32> to vector<1x16xf32>
      tpu.vector_store %arg5[%swap3A_980, %swap3A_981], %swap3A_984 {strides = array<i32>} : memref<206x128xf32, #tpu.memory_space<vmem>>, vector<1x16xf32>,
      %add3A_985 = arith.constant 1 : i32
      %add3A_986 = arith.addi %add3A_985, %scan3A_949 : i32
      %swap3A_987 = arith.index_cast %add3A_986 : i32 to index
      %swap3A_988 = arith.constant 80 : index
      %swap3A_989 = tpu.vector_load %arg5[%swap3A_987, %swap3A_988] {strides = array<i32>} : memref<206x128xf32, #tpu.memory_space<vmem>>, vector<1x16xf32>,
      %swap3A_990 = vector.shape_cast %swap3A_989 : vector<1x16xf32> to vector<16xf32>
      %swap3A_991 = vector.shape_cast %get3A_116 : vector<16xf32> to vector<1x16xf32>
      tpu.vector_store %arg5[%swap3A_987, %swap3A_988], %swap3A_991 {strides = array<i32>} : memref<206x128xf32, #tpu.memory_space<vmem>>, vector<1x16xf32>,
      %add3A_992 = arith.constant 1 : i32
      %add3A_993 = arith.addi %add3A_992, %scan3A_949 : i32
      %swap3A_994 = arith.index_cast %add3A_993 : i32 to index
      %swap3A_995 = arith.constant 96 : index
      %swap3A_996 = tpu.vector_load %arg5[%swap3A_994, %swap3A_995] {strides = array<i32>} : memref<206x128xf32, #tpu.memory_space<vmem>>, vector<1x16xf32>,
      %swap3A_997 = vector.shape_cast %swap3A_996 : vector<1x16xf32> to vector<16xf32>
      %swap3A_998 = vector.shape_cast %get3A_121 : vector<16xf32> to vector<1x16xf32>
      tpu.vector_store %arg5[%swap3A_994, %swap3A_995], %swap3A_998 {strides = array<i32>} : memref<206x128xf32, #tpu.memory_space<vmem>>, vector<1x16xf32>,
      %add3A_999 = arith.constant 1 : i32
      %add3A_1000 = arith.addi %add3A_999, %scan3A_949 : i32
      %swap3A_1001 = arith.index_cast %add3A_1000 : i32 to index
      %swap3A_1002 = arith.constant 112 : index
      %swap3A_1003 = tpu.vector_load %arg5[%swap3A_1001, %swap3A_1002] {strides = array<i32>} : memref<206x128xf32, #tpu.memory_space<vmem>>, vector<1x16xf32>,
      %swap3A_1004 = vector.shape_cast %swap3A_1003 : vector<1x16xf32> to vector<16xf32>
      %swap3A_1005 = vector.shape_cast %get3A_126 : vector<16xf32> to vector<1x16xf32>
      tpu.vector_store %arg5[%swap3A_1001, %swap3A_1002], %swap3A_1005 {strides = array<i32>} : memref<206x128xf32, #tpu.memory_space<vmem>>, vector<1x16xf32>,
      %scan3A_1006 = arith.constant 0 : i32
      %scan3A_1007 = arith.constant 2 : i32
      %scan3A_1008 = arith.addi %scan3A_889, %scan3A_1007 : i32
      %add3A_1009 = arith.constant 1 : i32
      %add3A_1010 = arith.addi %add3A_1009, %scan3A_1008 : i32
      %swap3A_1011 = arith.index_cast %add3A_1010 : i32 to index
      %swap3A_1012 = arith.constant 0 : index
      %swap3A_1013 = tpu.vector_load %arg5[%swap3A_1011, %swap3A_1012] {strides = array<i32>} : memref<206x128xf32, #tpu.memory_space<vmem>>, vector<1x16xf32>,
      %swap3A_1014 = vector.shape_cast %swap3A_1013 : vector<1x16xf32> to vector<16xf32>
      %swap3A_1015 = vector.shape_cast %get3A_91 : vector<16xf32> to vector<1x16xf32>
      tpu.vector_store %arg5[%swap3A_1011, %swap3A_1012], %swap3A_1015 {strides = array<i32>} : memref<206x128xf32, #tpu.memory_space<vmem>>, vector<1x16xf32>,
      %add3A_1016 = arith.constant 1 : i32
      %add3A_1017 = arith.addi %add3A_1016, %scan3A_1008 : i32
      %swap3A_1018 = arith.index_cast %add3A_1017 : i32 to index
      %swap3A_1019 = arith.constant 16 : index
      %swap3A_1020 = tpu.vector_load %arg5[%swap3A_1018, %swap3A_1019] {strides = array<i32>} : memref<206x128xf32, #tpu.memory_space<vmem>>, vector<1x16xf32>,
      %swap3A_1021 = vector.shape_cast %swap3A_1020 : vector<1x16xf32> to vector<16xf32>
      %swap3A_1022 = vector.shape_cast %get3A_96 : vector<16xf32> to vector<1x16xf32>
      tpu.vector_store %arg5[%swap3A_1018, %swap3A_1019], %swap3A_1022 {strides = array<i32>} : memref<206x128xf32, #tpu.memory_space<vmem>>, vector<1x16xf32>,
      %add3A_1023 = arith.constant 1 : i32
      %add3A_1024 = arith.addi %add3A_1023, %scan3A_1008 : i32
      %swap3A_1025 = arith.index_cast %add3A_1024 : i32 to index
      %swap3A_1026 = arith.constant 32 : index
      %swap3A_1027 = tpu.vector_load %arg5[%swap3A_1025, %swap3A_1026] {strides = array<i32>} : memref<206x128xf32, #tpu.memory_space<vmem>>, vector<1x16xf32>,
      %swap3A_1028 = vector.shape_cast %swap3A_1027 : vector<1x16xf32> to vector<16xf32>
      %swap3A_1029 = vector.shape_cast %get3A_101 : vector<16xf32> to vector<1x16xf32>
      tpu.vector_store %arg5[%swap3A_1025, %swap3A_1026], %swap3A_1029 {strides = array<i32>} : memref<206x128xf32, #tpu.memory_space<vmem>>, vector<1x16xf32>,
      %add3A_1030 = arith.constant 1 : i32
      %add3A_1031 = arith.addi %add3A_1030, %scan3A_1008 : i32
      %swap3A_1032 = arith.index_cast %add3A_1031 : i32 to index
      %swap3A_1033 = arith.constant 48 : index
      %swap3A_1034 = tpu.vector_load %arg5[%swap3A_1032, %swap3A_1033] {strides = array<i32>} : memref<206x128xf32, #tpu.memory_space<vmem>>, vector<1x16xf32>,
      %swap3A_1035 = vector.shape_cast %swap3A_1034 : vector<1x16xf32> to vector<16xf32>
      %swap3A_1036 = vector.shape_cast %get3A_106 : vector<16xf32> to vector<1x16xf32>
      tpu.vector_store %arg5[%swap3A_1032, %swap3A_1033], %swap3A_1036 {strides = array<i32>} : memref<206x128xf32, #tpu.memory_space<vmem>>, vector<1x16xf32>,
      %add3A_1037 = arith.constant 1 : i32
      %add3A_1038 = arith.addi %add3A_1037, %scan3A_1008 : i32
      %swap3A_1039 = arith.index_cast %add3A_1038 : i32 to index
      %swap3A_1040 = arith.constant 64 : index
      %swap3A_1041 = tpu.vector_load %arg5[%swap3A_1039, %swap3A_1040] {strides = array<i32>} : memref<206x128xf32, #tpu.memory_space<vmem>>, vector<1x16xf32>,
      %swap3A_1042 = vector.shape_cast %swap3A_1041 : vector<1x16xf32> to vector<16xf32>
      %swap3A_1043 = vector.shape_cast %get3A_111 : vector<16xf32> to vector<1x16xf32>
      tpu.vector_store %arg5[%swap3A_1039, %swap3A_1040], %swap3A_1043 {strides = array<i32>} : memref<206x128xf32, #tpu.memory_space<vmem>>, vector<1x16xf32>,
      %add3A_1044 = arith.constant 1 : i32
      %add3A_1045 = arith.addi %add3A_1044, %scan3A_1008 : i32
      %swap3A_1046 = arith.index_cast %add3A_1045 : i32 to index
      %swap3A_1047 = arith.constant 80 : index
      %swap3A_1048 = tpu.vector_load %arg5[%swap3A_1046, %swap3A_1047] {strides = array<i32>} : memref<206x128xf32, #tpu.memory_space<vmem>>, vector<1x16xf32>,
      %swap3A_1049 = vector.shape_cast %swap3A_1048 : vector<1x16xf32> to vector<16xf32>
      %swap3A_1050 = vector.shape_cast %get3A_116 : vector<16xf32> to vector<1x16xf32>
      tpu.vector_store %arg5[%swap3A_1046, %swap3A_1047], %swap3A_1050 {strides = array<i32>} : memref<206x128xf32, #tpu.memory_space<vmem>>, vector<1x16xf32>,
      %add3A_1051 = arith.constant 1 : i32
      %add3A_1052 = arith.addi %add3A_1051, %scan3A_1008 : i32
      %swap3A_1053 = arith.index_cast %add3A_1052 : i32 to index
      %swap3A_1054 = arith.constant 96 : index
      %swap3A_1055 = tpu.vector_load %arg5[%swap3A_1053, %swap3A_1054] {strides = array<i32>} : memref<206x128xf32, #tpu.memory_space<vmem>>, vector<1x16xf32>,
      %swap3A_1056 = vector.shape_cast %swap3A_1055 : vector<1x16xf32> to vector<16xf32>
      %swap3A_1057 = vector.shape_cast %get3A_121 : vector<16xf32> to vector<1x16xf32>
      tpu.vector_store %arg5[%swap3A_1053, %swap3A_1054], %swap3A_1057 {strides = array<i32>} : memref<206x128xf32, #tpu.memory_space<vmem>>, vector<1x16xf32>,
      %add3A_1058 = arith.constant 1 : i32
      %add3A_1059 = arith.addi %add3A_1058, %scan3A_1008 : i32
      %swap3A_1060 = arith.index_cast %add3A_1059 : i32 to index
      %swap3A_1061 = arith.constant 112 : index
      %swap3A_1062 = tpu.vector_load %arg5[%swap3A_1060, %swap3A_1061] {strides = array<i32>} : memref<206x128xf32, #tpu.memory_space<vmem>>, vector<1x16xf32>,
      %swap3A_1063 = vector.shape_cast %swap3A_1062 : vector<1x16xf32> to vector<16xf32>
      %swap3A_1064 = vector.shape_cast %get3A_126 : vector<16xf32> to vector<1x16xf32>
      tpu.vector_store %arg5[%swap3A_1060, %swap3A_1061], %swap3A_1064 {strides = array<i32>} : memref<206x128xf32, #tpu.memory_space<vmem>>, vector<1x16xf32>,
      %scan3A_1065 = arith.constant 0 : i32
      %scan3A_1066 = arith.constant 3 : i32
      %scan3A_1067 = arith.addi %scan3A_889, %scan3A_1066 : i32
      %add3A_1068 = arith.constant 1 : i32
      %add3A_1069 = arith.addi %add3A_1068, %scan3A_1067 : i32
      %swap3A_1070 = arith.index_cast %add3A_1069 : i32 to index
      %swap3A_1071 = arith.constant 0 : index
      %swap3A_1072 = tpu.vector_load %arg5[%swap3A_1070, %swap3A_1071] {strides = array<i32>} : memref<206x128xf32, #tpu.memory_space<vmem>>, vector<1x16xf32>,
      %swap3A_1073 = vector.shape_cast %swap3A_1072 : vector<1x16xf32> to vector<16xf32>
      %swap3A_1074 = vector.shape_cast %get3A_91 : vector<16xf32> to vector<1x16xf32>
      tpu.vector_store %arg5[%swap3A_1070, %swap3A_1071], %swap3A_1074 {strides = array<i32>} : memref<206x128xf32, #tpu.memory_space<vmem>>, vector<1x16xf32>,
      %add3A_1075 = arith.constant 1 : i32
      %add3A_1076 = arith.addi %add3A_1075, %scan3A_1067 : i32
      %swap3A_1077 = arith.index_cast %add3A_1076 : i32 to index
      %swap3A_1078 = arith.constant 16 : index
      %swap3A_1079 = tpu.vector_load %arg5[%swap3A_1077, %swap3A_1078] {strides = array<i32>} : memref<206x128xf32, #tpu.memory_space<vmem>>, vector<1x16xf32>,
      %swap3A_1080 = vector.shape_cast %swap3A_1079 : vector<1x16xf32> to vector<16xf32>
      %swap3A_1081 = vector.shape_cast %get3A_96 : vector<16xf32> to vector<1x16xf32>
      tpu.vector_store %arg5[%swap3A_1077, %swap3A_1078], %swap3A_1081 {strides = array<i32>} : memref<206x128xf32, #tpu.memory_space<vmem>>, vector<1x16xf32>,
      %add3A_1082 = arith.constant 1 : i32
      %add3A_1083 = arith.addi %add3A_1082, %scan3A_1067 : i32
      %swap3A_1084 = arith.index_cast %add3A_1083 : i32 to index
      %swap3A_1085 = arith.constant 32 : index
      %swap3A_1086 = tpu.vector_load %arg5[%swap3A_1084, %swap3A_1085] {strides = array<i32>} : memref<206x128xf32, #tpu.memory_space<vmem>>, vector<1x16xf32>,
      %swap3A_1087 = vector.shape_cast %swap3A_1086 : vector<1x16xf32> to vector<16xf32>
      %swap3A_1088 = vector.shape_cast %get3A_101 : vector<16xf32> to vector<1x16xf32>
      tpu.vector_store %arg5[%swap3A_1084, %swap3A_1085], %swap3A_1088 {strides = array<i32>} : memref<206x128xf32, #tpu.memory_space<vmem>>, vector<1x16xf32>,
      %add3A_1089 = arith.constant 1 : i32
      %add3A_1090 = arith.addi %add3A_1089, %scan3A_1067 : i32
      %swap3A_1091 = arith.index_cast %add3A_1090 : i32 to index
      %swap3A_1092 = arith.constant 48 : index
      %swap3A_1093 = tpu.vector_load %arg5[%swap3A_1091, %swap3A_1092] {strides = array<i32>} : memref<206x128xf32, #tpu.memory_space<vmem>>, vector<1x16xf32>,
      %swap3A_1094 = vector.shape_cast %swap3A_1093 : vector<1x16xf32> to vector<16xf32>
      %swap3A_1095 = vector.shape_cast %get3A_106 : vector<16xf32> to vector<1x16xf32>
      tpu.vector_store %arg5[%swap3A_1091, %swap3A_1092], %swap3A_1095 {strides = array<i32>} : memref<206x128xf32, #tpu.memory_space<vmem>>, vector<1x16xf32>,
      %add3A_1096 = arith.constant 1 : i32
      %add3A_1097 = arith.addi %add3A_1096, %scan3A_1067 : i32
      %swap3A_1098 = arith.index_cast %add3A_1097 : i32 to index
      %swap3A_1099 = arith.constant 64 : index
      %swap3A_1100 = tpu.vector_load %arg5[%swap3A_1098, %swap3A_1099] {strides = array<i32>} : memref<206x128xf32, #tpu.memory_space<vmem>>, vector<1x16xf32>,
      %swap3A_1101 = vector.shape_cast %swap3A_1100 : vector<1x16xf32> to vector<16xf32>
      %swap3A_1102 = vector.shape_cast %get3A_111 : vector<16xf32> to vector<1x16xf32>
      tpu.vector_store %arg5[%swap3A_1098, %swap3A_1099], %swap3A_1102 {strides = array<i32>} : memref<206x128xf32, #tpu.memory_space<vmem>>, vector<1x16xf32>,
      %add3A_1103 = arith.constant 1 : i32
      %add3A_1104 = arith.addi %add3A_1103, %scan3A_1067 : i32
      %swap3A_1105 = arith.index_cast %add3A_1104 : i32 to index
      %swap3A_1106 = arith.constant 80 : index
      %swap3A_1107 = tpu.vector_load %arg5[%swap3A_1105, %swap3A_1106] {strides = array<i32>} : memref<206x128xf32, #tpu.memory_space<vmem>>, vector<1x16xf32>,
      %swap3A_1108 = vector.shape_cast %swap3A_1107 : vector<1x16xf32> to vector<16xf32>
      %swap3A_1109 = vector.shape_cast %get3A_116 : vector<16xf32> to vector<1x16xf32>
      tpu.vector_store %arg5[%swap3A_1105, %swap3A_1106], %swap3A_1109 {strides = array<i32>} : memref<206x128xf32, #tpu.memory_space<vmem>>, vector<1x16xf32>,
      %add3A_1110 = arith.constant 1 : i32
      %add3A_1111 = arith.addi %add3A_1110, %scan3A_1067 : i32
      %swap3A_1112 = arith.index_cast %add3A_1111 : i32 to index
      %swap3A_1113 = arith.constant 96 : index
      %swap3A_1114 = tpu.vector_load %arg5[%swap3A_1112, %swap3A_1113] {strides = array<i32>} : memref<206x128xf32, #tpu.memory_space<vmem>>, vector<1x16xf32>,
      %swap3A_1115 = vector.shape_cast %swap3A_1114 : vector<1x16xf32> to vector<16xf32>
      %swap3A_1116 = vector.shape_cast %get3A_121 : vector<16xf32> to vector<1x16xf32>
      tpu.vector_store %arg5[%swap3A_1112, %swap3A_1113], %swap3A_1116 {strides = array<i32>} : memref<206x128xf32, #tpu.memory_space<vmem>>, vector<1x16xf32>,
      %add3A_1117 = arith.constant 1 : i32
      %add3A_1118 = arith.addi %add3A_1117, %scan3A_1067 : i32
      %swap3A_1119 = arith.index_cast %add3A_1118 : i32 to index
      %swap3A_1120 = arith.constant 112 : index
      %swap3A_1121 = tpu.vector_load %arg5[%swap3A_1119, %swap3A_1120] {strides = array<i32>} : memref<206x128xf32, #tpu.memory_space<vmem>>, vector<1x16xf32>,
      %swap3A_1122 = vector.shape_cast %swap3A_1121 : vector<1x16xf32> to vector<16xf32>
      %swap3A_1123 = vector.shape_cast %get3A_126 : vector<16xf32> to vector<1x16xf32>
      tpu.vector_store %arg5[%swap3A_1119, %swap3A_1120], %swap3A_1123 {strides = array<i32>} : memref<206x128xf32, #tpu.memory_space<vmem>>, vector<1x16xf32>,
      %scan3A_1124 = arith.constant 0 : i32
      scf.yield %scan3A_1124 : i32
    }
    %scan3A_132 = arith.constant 64 : i32
    %get3A_133 = arith.constant 3 : i32
    %get3A_134 = arith.index_cast %get3A_133 : i32 to index
    %get3A_135 = arith.constant 0 : index
    %get3A_136 = tpu.vector_load %arg4[%get3A_134, %get3A_135] {strides = array<i32>} : memref<6x128xf32, #tpu.memory_space<vmem>>, vector<1x16xf32>,
    %get3A_137 = vector.shape_cast %get3A_136 : vector<1x16xf32> to vector<16xf32>
    %get3A_138 = arith.constant 3 : i32
    %get3A_139 = arith.index_cast %get3A_138 : i32 to index
    %get3A_140 = arith.constant 16 : index
    %get3A_141 = tpu.vector_load %arg4[%get3A_139, %get3A_140] {strides = array<i32>} : memref<6x128xf32, #tpu.memory_space<vmem>>, vector<1x16xf32>,
    %get3A_142 = vector.shape_cast %get3A_141 : vector<1x16xf32> to vector<16xf32>
    %get3A_143 = arith.constant 3 : i32
    %get3A_144 = arith.index_cast %get3A_143 : i32 to index
    %get3A_145 = arith.constant 32 : index
    %get3A_146 = tpu.vector_load %arg4[%get3A_144, %get3A_145] {strides = array<i32>} : memref<6x128xf32, #tpu.memory_space<vmem>>, vector<1x16xf32>,
    %get3A_147 = vector.shape_cast %get3A_146 : vector<1x16xf32> to vector<16xf32>
    %get3A_148 = arith.constant 3 : i32
    %get3A_149 = arith.index_cast %get3A_148 : i32 to index
    %get3A_150 = arith.constant 48 : index
    %get3A_151 = tpu.vector_load %arg4[%get3A_149, %get3A_150] {strides = array<i32>} : memref<6x128xf32, #tpu.memory_space<vmem>>, vector<1x16xf32>,
    %get3A_152 = vector.shape_cast %get3A_151 : vector<1x16xf32> to vector<16xf32>
    %get3A_153 = arith.constant 3 : i32
    %get3A_154 = arith.index_cast %get3A_153 : i32 to index
    %get3A_155 = arith.constant 64 : index
    %get3A_156 = tpu.vector_load %arg4[%get3A_154, %get3A_155] {strides = array<i32>} : memref<6x128xf32, #tpu.memory_space<vmem>>, vector<1x16xf32>,
    %get3A_157 = vector.shape_cast %get3A_156 : vector<1x16xf32> to vector<16xf32>
    %get3A_158 = arith.constant 3 : i32
    %get3A_159 = arith.index_cast %get3A_158 : i32 to index
    %get3A_160 = arith.constant 80 : index
    %get3A_161 = tpu.vector_load %arg4[%get3A_159, %get3A_160] {strides = array<i32>} : memref<6x128xf32, #tpu.memory_space<vmem>>, vector<1x16xf32>,
    %get3A_162 = vector.shape_cast %get3A_161 : vector<1x16xf32> to vector<16xf32>
    %get3A_163 = arith.constant 3 : i32
    %get3A_164 = arith.index_cast %get3A_163 : i32 to index
    %get3A_165 = arith.constant 96 : index
    %get3A_166 = tpu.vector_load %arg4[%get3A_164, %get3A_165] {strides = array<i32>} : memref<6x128xf32, #tpu.memory_space<vmem>>, vector<1x16xf32>,
    %get3A_167 = vector.shape_cast %get3A_166 : vector<1x16xf32> to vector<16xf32>
    %get3A_168 = arith.constant 3 : i32
    %get3A_169 = arith.index_cast %get3A_168 : i32 to index
    %get3A_170 = arith.constant 112 : index
    %get3A_171 = tpu.vector_load %arg4[%get3A_169, %get3A_170] {strides = array<i32>} : memref<6x128xf32, #tpu.memory_space<vmem>>, vector<1x16xf32>,
    %get3A_172 = vector.shape_cast %get3A_171 : vector<1x16xf32> to vector<16xf32>
    %swap3A_173 = arith.constant 65 : i32
    %swap3A_174 = arith.index_cast %swap3A_173 : i32 to index
    %swap3A_175 = arith.constant 0 : index
    %swap3A_176 = tpu.vector_load %arg5[%swap3A_174, %swap3A_175] {strides = array<i32>} : memref<206x128xf32, #tpu.memory_space<vmem>>, vector<1x16xf32>,
    %swap3A_177 = vector.shape_cast %swap3A_176 : vector<1x16xf32> to vector<16xf32>
    %swap3A_178 = vector.shape_cast %get3A_137 : vector<16xf32> to vector<1x16xf32>
    tpu.vector_store %arg5[%swap3A_174, %swap3A_175], %swap3A_178 {strides = array<i32>} : memref<206x128xf32, #tpu.memory_space<vmem>>, vector<1x16xf32>,
    %swap3A_179 = arith.constant 65 : i32
    %swap3A_180 = arith.index_cast %swap3A_179 : i32 to index
    %swap3A_181 = arith.constant 16 : index
    %swap3A_182 = tpu.vector_load %arg5[%swap3A_180, %swap3A_181] {strides = array<i32>} : memref<206x128xf32, #tpu.memory_space<vmem>>, vector<1x16xf32>,
    %swap3A_183 = vector.shape_cast %swap3A_182 : vector<1x16xf32> to vector<16xf32>
    %swap3A_184 = vector.shape_cast %get3A_142 : vector<16xf32> to vector<1x16xf32>
    tpu.vector_store %arg5[%swap3A_180, %swap3A_181], %swap3A_184 {strides = array<i32>} : memref<206x128xf32, #tpu.memory_space<vmem>>, vector<1x16xf32>,
    %swap3A_185 = arith.constant 65 : i32
    %swap3A_186 = arith.index_cast %swap3A_185 : i32 to index
    %swap3A_187 = arith.constant 32 : index
    %swap3A_188 = tpu.vector_load %arg5[%swap3A_186, %swap3A_187] {strides = array<i32>} : memref<206x128xf32, #tpu.memory_space<vmem>>, vector<1x16xf32>,
    %swap3A_189 = vector.shape_cast %swap3A_188 : vector<1x16xf32> to vector<16xf32>
    %swap3A_190 = vector.shape_cast %get3A_147 : vector<16xf32> to vector<1x16xf32>
    tpu.vector_store %arg5[%swap3A_186, %swap3A_187], %swap3A_190 {strides = array<i32>} : memref<206x128xf32, #tpu.memory_space<vmem>>, vector<1x16xf32>,
    %swap3A_191 = arith.constant 65 : i32
    %swap3A_192 = arith.index_cast %swap3A_191 : i32 to index
    %swap3A_193 = arith.constant 48 : index
    %swap3A_194 = tpu.vector_load %arg5[%swap3A_192, %swap3A_193] {strides = array<i32>} : memref<206x128xf32, #tpu.memory_space<vmem>>, vector<1x16xf32>,
    %swap3A_195 = vector.shape_cast %swap3A_194 : vector<1x16xf32> to vector<16xf32>
    %swap3A_196 = vector.shape_cast %get3A_152 : vector<16xf32> to vector<1x16xf32>
    tpu.vector_store %arg5[%swap3A_192, %swap3A_193], %swap3A_196 {strides = array<i32>} : memref<206x128xf32, #tpu.memory_space<vmem>>, vector<1x16xf32>,
    %swap3A_197 = arith.constant 65 : i32
    %swap3A_198 = arith.index_cast %swap3A_197 : i32 to index
    %swap3A_199 = arith.constant 64 : index
    %swap3A_200 = tpu.vector_load %arg5[%swap3A_198, %swap3A_199] {strides = array<i32>} : memref<206x128xf32, #tpu.memory_space<vmem>>, vector<1x16xf32>,
    %swap3A_201 = vector.shape_cast %swap3A_200 : vector<1x16xf32> to vector<16xf32>
    %swap3A_202 = vector.shape_cast %get3A_157 : vector<16xf32> to vector<1x16xf32>
    tpu.vector_store %arg5[%swap3A_198, %swap3A_199], %swap3A_202 {strides = array<i32>} : memref<206x128xf32, #tpu.memory_space<vmem>>, vector<1x16xf32>,
    %swap3A_203 = arith.constant 65 : i32
    %swap3A_204 = arith.index_cast %swap3A_203 : i32 to index
    %swap3A_205 = arith.constant 80 : index
    %swap3A_206 = tpu.vector_load %arg5[%swap3A_204, %swap3A_205] {strides = array<i32>} : memref<206x128xf32, #tpu.memory_space<vmem>>, vector<1x16xf32>,
    %swap3A_207 = vector.shape_cast %swap3A_206 : vector<1x16xf32> to vector<16xf32>
    %swap3A_208 = vector.shape_cast %get3A_162 : vector<16xf32> to vector<1x16xf32>
    tpu.vector_store %arg5[%swap3A_204, %swap3A_205], %swap3A_208 {strides = array<i32>} : memref<206x128xf32, #tpu.memory_space<vmem>>, vector<1x16xf32>,
    %swap3A_209 = arith.constant 65 : i32
    %swap3A_210 = arith.index_cast %swap3A_209 : i32 to index
    %swap3A_211 = arith.constant 96 : index
    %swap3A_212 = tpu.vector_load %arg5[%swap3A_210, %swap3A_211] {strides = array<i32>} : memref<206x128xf32, #tpu.memory_space<vmem>>, vector<1x16xf32>,
    %swap3A_213 = vector.shape_cast %swap3A_212 : vector<1x16xf32> to vector<16xf32>
    %swap3A_214 = vector.shape_cast %get3A_167 : vector<16xf32> to vector<1x16xf32>
    tpu.vector_store %arg5[%swap3A_210, %swap3A_211], %swap3A_214 {strides = array<i32>} : memref<206x128xf32, #tpu.memory_space<vmem>>, vector<1x16xf32>,
    %swap3A_215 = arith.constant 65 : i32
    %swap3A_216 = arith.index_cast %swap3A_215 : i32 to index
    %swap3A_217 = arith.constant 112 : index
    %swap3A_218 = tpu.vector_load %arg5[%swap3A_216, %swap3A_217] {strides = array<i32>} : memref<206x128xf32, #tpu.memory_space<vmem>>, vector<1x16xf32>,
    %swap3A_219 = vector.shape_cast %swap3A_218 : vector<1x16xf32> to vector<16xf32>
    %swap3A_220 = vector.shape_cast %get3A_172 : vector<16xf32> to vector<1x16xf32>
    tpu.vector_store %arg5[%swap3A_216, %swap3A_217], %swap3A_220 {strides = array<i32>} : memref<206x128xf32, #tpu.memory_space<vmem>>, vector<1x16xf32>,
    %get3A_221 = arith.constant 4 : i32
    %get3A_222 = arith.index_cast %get3A_221 : i32 to index
    %get3A_223 = arith.constant 0 : index
    %get3A_224 = tpu.vector_load %arg4[%get3A_222, %get3A_223] {strides = array<i32>} : memref<6x128xf32, #tpu.memory_space<vmem>>, vector<1x16xf32>,
    %get3A_225 = vector.shape_cast %get3A_224 : vector<1x16xf32> to vector<16xf32>
    %get3A_226 = arith.constant 4 : i32
    %get3A_227 = arith.index_cast %get3A_226 : i32 to index
    %get3A_228 = arith.constant 16 : index
    %get3A_229 = tpu.vector_load %arg4[%get3A_227, %get3A_228] {strides = array<i32>} : memref<6x128xf32, #tpu.memory_space<vmem>>, vector<1x16xf32>,
    %get3A_230 = vector.shape_cast %get3A_229 : vector<1x16xf32> to vector<16xf32>
    %get3A_231 = arith.constant 4 : i32
    %get3A_232 = arith.index_cast %get3A_231 : i32 to index
    %get3A_233 = arith.constant 32 : index
    %get3A_234 = tpu.vector_load %arg4[%get3A_232, %get3A_233] {strides = array<i32>} : memref<6x128xf32, #tpu.memory_space<vmem>>, vector<1x16xf32>,
    %get3A_235 = vector.shape_cast %get3A_234 : vector<1x16xf32> to vector<16xf32>
    %get3A_236 = arith.constant 4 : i32
    %get3A_237 = arith.index_cast %get3A_236 : i32 to index
    %get3A_238 = arith.constant 48 : index
    %get3A_239 = tpu.vector_load %arg4[%get3A_237, %get3A_238] {strides = array<i32>} : memref<6x128xf32, #tpu.memory_space<vmem>>, vector<1x16xf32>,
    %get3A_240 = vector.shape_cast %get3A_239 : vector<1x16xf32> to vector<16xf32>
    %get3A_241 = arith.constant 4 : i32
    %get3A_242 = arith.index_cast %get3A_241 : i32 to index
    %get3A_243 = arith.constant 64 : index
    %get3A_244 = tpu.vector_load %arg4[%get3A_242, %get3A_243] {strides = array<i32>} : memref<6x128xf32, #tpu.memory_space<vmem>>, vector<1x16xf32>,
    %get3A_245 = vector.shape_cast %get3A_244 : vector<1x16xf32> to vector<16xf32>
    %get3A_246 = arith.constant 4 : i32
    %get3A_247 = arith.index_cast %get3A_246 : i32 to index
    %get3A_248 = arith.constant 80 : index
    %get3A_249 = tpu.vector_load %arg4[%get3A_247, %get3A_248] {strides = array<i32>} : memref<6x128xf32, #tpu.memory_space<vmem>>, vector<1x16xf32>,
    %get3A_250 = vector.shape_cast %get3A_249 : vector<1x16xf32> to vector<16xf32>
    %get3A_251 = arith.constant 4 : i32
    %get3A_252 = arith.index_cast %get3A_251 : i32 to index
    %get3A_253 = arith.constant 96 : index
    %get3A_254 = tpu.vector_load %arg4[%get3A_252, %get3A_253] {strides = array<i32>} : memref<6x128xf32, #tpu.memory_space<vmem>>, vector<1x16xf32>,
    %get3A_255 = vector.shape_cast %get3A_254 : vector<1x16xf32> to vector<16xf32>
    %get3A_256 = arith.constant 4 : i32
    %get3A_257 = arith.index_cast %get3A_256 : i32 to index
    %get3A_258 = arith.constant 112 : index
    %get3A_259 = tpu.vector_load %arg4[%get3A_257, %get3A_258] {strides = array<i32>} : memref<6x128xf32, #tpu.memory_space<vmem>>, vector<1x16xf32>,
    %get3A_260 = vector.shape_cast %get3A_259 : vector<1x16xf32> to vector<16xf32>
    %scan3A_261 = arith.constant 0 : i32
    %scan3A_262 = arith.constant 0 : i32
    %scan3A_263 = arith.constant 100 : i32
    %scan3A_264 = arith.addi %scan3A_262, %scan3A_263 : i32
    %scan3A_265 = arith.constant 4 : i32
    %scan3A_266 = scf.for %scan3A_889 = %scan3A_262 to %scan3A_264 step %scan3A_265 iter_args(%scan3A_890 = %scan3A_261) -> (i32)  : i32 {
      %add3A_891 = arith.constant 66 : i32
      %add3A_892 = arith.addi %add3A_891, %scan3A_889 : i32
      %swap3A_893 = arith.index_cast %add3A_892 : i32 to index
      %swap3A_894 = arith.constant 0 : index
      %swap3A_895 = tpu.vector_load %arg5[%swap3A_893, %swap3A_894] {strides = array<i32>} : memref<206x128xf32, #tpu.memory_space<vmem>>, vector<1x16xf32>,
      %swap3A_896 = vector.shape_cast %swap3A_895 : vector<1x16xf32> to vector<16xf32>
      %swap3A_897 = vector.shape_cast %get3A_225 : vector<16xf32> to vector<1x16xf32>
      tpu.vector_store %arg5[%swap3A_893, %swap3A_894], %swap3A_897 {strides = array<i32>} : memref<206x128xf32, #tpu.memory_space<vmem>>, vector<1x16xf32>,
      %add3A_898 = arith.constant 66 : i32
      %add3A_899 = arith.addi %add3A_898, %scan3A_889 : i32
      %swap3A_900 = arith.index_cast %add3A_899 : i32 to index
      %swap3A_901 = arith.constant 16 : index
      %swap3A_902 = tpu.vector_load %arg5[%swap3A_900, %swap3A_901] {strides = array<i32>} : memref<206x128xf32, #tpu.memory_space<vmem>>, vector<1x16xf32>,
      %swap3A_903 = vector.shape_cast %swap3A_902 : vector<1x16xf32> to vector<16xf32>
      %swap3A_904 = vector.shape_cast %get3A_230 : vector<16xf32> to vector<1x16xf32>
      tpu.vector_store %arg5[%swap3A_900, %swap3A_901], %swap3A_904 {strides = array<i32>} : memref<206x128xf32, #tpu.memory_space<vmem>>, vector<1x16xf32>,
      %add3A_905 = arith.constant 66 : i32
      %add3A_906 = arith.addi %add3A_905, %scan3A_889 : i32
      %swap3A_907 = arith.index_cast %add3A_906 : i32 to index
      %swap3A_908 = arith.constant 32 : index
      %swap3A_909 = tpu.vector_load %arg5[%swap3A_907, %swap3A_908] {strides = array<i32>} : memref<206x128xf32, #tpu.memory_space<vmem>>, vector<1x16xf32>,
      %swap3A_910 = vector.shape_cast %swap3A_909 : vector<1x16xf32> to vector<16xf32>
      %swap3A_911 = vector.shape_cast %get3A_235 : vector<16xf32> to vector<1x16xf32>
      tpu.vector_store %arg5[%swap3A_907, %swap3A_908], %swap3A_911 {strides = array<i32>} : memref<206x128xf32, #tpu.memory_space<vmem>>, vector<1x16xf32>,
      %add3A_912 = arith.constant 66 : i32
      %add3A_913 = arith.addi %add3A_912, %scan3A_889 : i32
      %swap3A_914 = arith.index_cast %add3A_913 : i32 to index
      %swap3A_915 = arith.constant 48 : index
      %swap3A_916 = tpu.vector_load %arg5[%swap3A_914, %swap3A_915] {strides = array<i32>} : memref<206x128xf32, #tpu.memory_space<vmem>>, vector<1x16xf32>,
      %swap3A_917 = vector.shape_cast %swap3A_916 : vector<1x16xf32> to vector<16xf32>
      %swap3A_918 = vector.shape_cast %get3A_240 : vector<16xf32> to vector<1x16xf32>
      tpu.vector_store %arg5[%swap3A_914, %swap3A_915], %swap3A_918 {strides = array<i32>} : memref<206x128xf32, #tpu.memory_space<vmem>>, vector<1x16xf32>,
      %add3A_919 = arith.constant 66 : i32
      %add3A_920 = arith.addi %add3A_919, %scan3A_889 : i32
      %swap3A_921 = arith.index_cast %add3A_920 : i32 to index
      %swap3A_922 = arith.constant 64 : index
      %swap3A_923 = tpu.vector_load %arg5[%swap3A_921, %swap3A_922] {strides = array<i32>} : memref<206x128xf32, #tpu.memory_space<vmem>>, vector<1x16xf32>,
      %swap3A_924 = vector.shape_cast %swap3A_923 : vector<1x16xf32> to vector<16xf32>
      %swap3A_925 = vector.shape_cast %get3A_245 : vector<16xf32> to vector<1x16xf32>
      tpu.vector_store %arg5[%swap3A_921, %swap3A_922], %swap3A_925 {strides = array<i32>} : memref<206x128xf32, #tpu.memory_space<vmem>>, vector<1x16xf32>,
      %add3A_926 = arith.constant 66 : i32
      %add3A_927 = arith.addi %add3A_926, %scan3A_889 : i32
      %swap3A_928 = arith.index_cast %add3A_927 : i32 to index
      %swap3A_929 = arith.constant 80 : index
      %swap3A_930 = tpu.vector_load %arg5[%swap3A_928, %swap3A_929] {strides = array<i32>} : memref<206x128xf32, #tpu.memory_space<vmem>>, vector<1x16xf32>,
      %swap3A_931 = vector.shape_cast %swap3A_930 : vector<1x16xf32> to vector<16xf32>
      %swap3A_932 = vector.shape_cast %get3A_250 : vector<16xf32> to vector<1x16xf32>
      tpu.vector_store %arg5[%swap3A_928, %swap3A_929], %swap3A_932 {strides = array<i32>} : memref<206x128xf32, #tpu.memory_space<vmem>>, vector<1x16xf32>,
      %add3A_933 = arith.constant 66 : i32
      %add3A_934 = arith.addi %add3A_933, %scan3A_889 : i32
      %swap3A_935 = arith.index_cast %add3A_934 : i32 to index
      %swap3A_936 = arith.constant 96 : index
      %swap3A_937 = tpu.vector_load %arg5[%swap3A_935, %swap3A_936] {strides = array<i32>} : memref<206x128xf32, #tpu.memory_space<vmem>>, vector<1x16xf32>,
      %swap3A_938 = vector.shape_cast %swap3A_937 : vector<1x16xf32> to vector<16xf32>
      %swap3A_939 = vector.shape_cast %get3A_255 : vector<16xf32> to vector<1x16xf32>
      tpu.vector_store %arg5[%swap3A_935, %swap3A_936], %swap3A_939 {strides = array<i32>} : memref<206x128xf32, #tpu.memory_space<vmem>>, vector<1x16xf32>,
      %add3A_940 = arith.constant 66 : i32
      %add3A_941 = arith.addi %add3A_940, %scan3A_889 : i32
      %swap3A_942 = arith.index_cast %add3A_941 : i32 to index
      %swap3A_943 = arith.constant 112 : index
      %swap3A_944 = tpu.vector_load %arg5[%swap3A_942, %swap3A_943] {strides = array<i32>} : memref<206x128xf32, #tpu.memory_space<vmem>>, vector<1x16xf32>,
      %swap3A_945 = vector.shape_cast %swap3A_944 : vector<1x16xf32> to vector<16xf32>
      %swap3A_946 = vector.shape_cast %get3A_260 : vector<16xf32> to vector<1x16xf32>
      tpu.vector_store %arg5[%swap3A_942, %swap3A_943], %swap3A_946 {strides = array<i32>} : memref<206x128xf32, #tpu.memory_space<vmem>>, vector<1x16xf32>,
      %scan3A_947 = arith.constant 0 : i32
      %scan3A_948 = arith.constant 1 : i32
      %scan3A_949 = arith.addi %scan3A_889, %scan3A_948 : i32
      %add3A_950 = arith.constant 66 : i32
      %add3A_951 = arith.addi %add3A_950, %scan3A_949 : i32
      %swap3A_952 = arith.index_cast %add3A_951 : i32 to index
      %swap3A_953 = arith.constant 0 : index
      %swap3A_954 = tpu.vector_load %arg5[%swap3A_952, %swap3A_953] {strides = array<i32>} : memref<206x128xf32, #tpu.memory_space<vmem>>, vector<1x16xf32>,
      %swap3A_955 = vector.shape_cast %swap3A_954 : vector<1x16xf32> to vector<16xf32>
      %swap3A_956 = vector.shape_cast %get3A_225 : vector<16xf32> to vector<1x16xf32>
      tpu.vector_store %arg5[%swap3A_952, %swap3A_953], %swap3A_956 {strides = array<i32>} : memref<206x128xf32, #tpu.memory_space<vmem>>, vector<1x16xf32>,
      %add3A_957 = arith.constant 66 : i32
      %add3A_958 = arith.addi %add3A_957, %scan3A_949 : i32
      %swap3A_959 = arith.index_cast %add3A_958 : i32 to index
      %swap3A_960 = arith.constant 16 : index
      %swap3A_961 = tpu.vector_load %arg5[%swap3A_959, %swap3A_960] {strides = array<i32>} : memref<206x128xf32, #tpu.memory_space<vmem>>, vector<1x16xf32>,
      %swap3A_962 = vector.shape_cast %swap3A_961 : vector<1x16xf32> to vector<16xf32>
      %swap3A_963 = vector.shape_cast %get3A_230 : vector<16xf32> to vector<1x16xf32>
      tpu.vector_store %arg5[%swap3A_959, %swap3A_960], %swap3A_963 {strides = array<i32>} : memref<206x128xf32, #tpu.memory_space<vmem>>, vector<1x16xf32>,
      %add3A_964 = arith.constant 66 : i32
      %add3A_965 = arith.addi %add3A_964, %scan3A_949 : i32
      %swap3A_966 = arith.index_cast %add3A_965 : i32 to index
      %swap3A_967 = arith.constant 32 : index
      %swap3A_968 = tpu.vector_load %arg5[%swap3A_966, %swap3A_967] {strides = array<i32>} : memref<206x128xf32, #tpu.memory_space<vmem>>, vector<1x16xf32>,
      %swap3A_969 = vector.shape_cast %swap3A_968 : vector<1x16xf32> to vector<16xf32>
      %swap3A_970 = vector.shape_cast %get3A_235 : vector<16xf32> to vector<1x16xf32>
      tpu.vector_store %arg5[%swap3A_966, %swap3A_967], %swap3A_970 {strides = array<i32>} : memref<206x128xf32, #tpu.memory_space<vmem>>, vector<1x16xf32>,
      %add3A_971 = arith.constant 66 : i32
      %add3A_972 = arith.addi %add3A_971, %scan3A_949 : i32
      %swap3A_973 = arith.index_cast %add3A_972 : i32 to index
      %swap3A_974 = arith.constant 48 : index
      %swap3A_975 = tpu.vector_load %arg5[%swap3A_973, %swap3A_974] {strides = array<i32>} : memref<206x128xf32, #tpu.memory_space<vmem>>, vector<1x16xf32>,
      %swap3A_976 = vector.shape_cast %swap3A_975 : vector<1x16xf32> to vector<16xf32>
      %swap3A_977 = vector.shape_cast %get3A_240 : vector<16xf32> to vector<1x16xf32>
      tpu.vector_store %arg5[%swap3A_973, %swap3A_974], %swap3A_977 {strides = array<i32>} : memref<206x128xf32, #tpu.memory_space<vmem>>, vector<1x16xf32>,
      %add3A_978 = arith.constant 66 : i32
      %add3A_979 = arith.addi %add3A_978, %scan3A_949 : i32
      %swap3A_980 = arith.index_cast %add3A_979 : i32 to index
      %swap3A_981 = arith.constant 64 : index
      %swap3A_982 = tpu.vector_load %arg5[%swap3A_980, %swap3A_981] {strides = array<i32>} : memref<206x128xf32, #tpu.memory_space<vmem>>, vector<1x16xf32>,
      %swap3A_983 = vector.shape_cast %swap3A_982 : vector<1x16xf32> to vector<16xf32>
      %swap3A_984 = vector.shape_cast %get3A_245 : vector<16xf32> to vector<1x16xf32>
      tpu.vector_store %arg5[%swap3A_980, %swap3A_981], %swap3A_984 {strides = array<i32>} : memref<206x128xf32, #tpu.memory_space<vmem>>, vector<1x16xf32>,
      %add3A_985 = arith.constant 66 : i32
      %add3A_986 = arith.addi %add3A_985, %scan3A_949 : i32
      %swap3A_987 = arith.index_cast %add3A_986 : i32 to index
      %swap3A_988 = arith.constant 80 : index
      %swap3A_989 = tpu.vector_load %arg5[%swap3A_987, %swap3A_988] {strides = array<i32>} : memref<206x128xf32, #tpu.memory_space<vmem>>, vector<1x16xf32>,
      %swap3A_990 = vector.shape_cast %swap3A_989 : vector<1x16xf32> to vector<16xf32>
      %swap3A_991 = vector.shape_cast %get3A_250 : vector<16xf32> to vector<1x16xf32>
      tpu.vector_store %arg5[%swap3A_987, %swap3A_988], %swap3A_991 {strides = array<i32>} : memref<206x128xf32, #tpu.memory_space<vmem>>, vector<1x16xf32>,
      %add3A_992 = arith.constant 66 : i32
      %add3A_993 = arith.addi %add3A_992, %scan3A_949 : i32
      %swap3A_994 = arith.index_cast %add3A_993 : i32 to index
      %swap3A_995 = arith.constant 96 : index
      %swap3A_996 = tpu.vector_load %arg5[%swap3A_994, %swap3A_995] {strides = array<i32>} : memref<206x128xf32, #tpu.memory_space<vmem>>, vector<1x16xf32>,
      %swap3A_997 = vector.shape_cast %swap3A_996 : vector<1x16xf32> to vector<16xf32>
      %swap3A_998 = vector.shape_cast %get3A_255 : vector<16xf32> to vector<1x16xf32>
      tpu.vector_store %arg5[%swap3A_994, %swap3A_995], %swap3A_998 {strides = array<i32>} : memref<206x128xf32, #tpu.memory_space<vmem>>, vector<1x16xf32>,
      %add3A_999 = arith.constant 66 : i32
      %add3A_1000 = arith.addi %add3A_999, %scan3A_949 : i32
      %swap3A_1001 = arith.index_cast %add3A_1000 : i32 to index
      %swap3A_1002 = arith.constant 112 : index
      %swap3A_1003 = tpu.vector_load %arg5[%swap3A_1001, %swap3A_1002] {strides = array<i32>} : memref<206x128xf32, #tpu.memory_space<vmem>>, vector<1x16xf32>,
      %swap3A_1004 = vector.shape_cast %swap3A_1003 : vector<1x16xf32> to vector<16xf32>
      %swap3A_1005 = vector.shape_cast %get3A_260 : vector<16xf32> to vector<1x16xf32>
      tpu.vector_store %arg5[%swap3A_1001, %swap3A_1002], %swap3A_1005 {strides = array<i32>} : memref<206x128xf32, #tpu.memory_space<vmem>>, vector<1x16xf32>,
      %scan3A_1006 = arith.constant 0 : i32
      %scan3A_1007 = arith.constant 2 : i32
      %scan3A_1008 = arith.addi %scan3A_889, %scan3A_1007 : i32
      %add3A_1009 = arith.constant 66 : i32
      %add3A_1010 = arith.addi %add3A_1009, %scan3A_1008 : i32
      %swap3A_1011 = arith.index_cast %add3A_1010 : i32 to index
      %swap3A_1012 = arith.constant 0 : index
      %swap3A_1013 = tpu.vector_load %arg5[%swap3A_1011, %swap3A_1012] {strides = array<i32>} : memref<206x128xf32, #tpu.memory_space<vmem>>, vector<1x16xf32>,
      %swap3A_1014 = vector.shape_cast %swap3A_1013 : vector<1x16xf32> to vector<16xf32>
      %swap3A_1015 = vector.shape_cast %get3A_225 : vector<16xf32> to vector<1x16xf32>
      tpu.vector_store %arg5[%swap3A_1011, %swap3A_1012], %swap3A_1015 {strides = array<i32>} : memref<206x128xf32, #tpu.memory_space<vmem>>, vector<1x16xf32>,
      %add3A_1016 = arith.constant 66 : i32
      %add3A_1017 = arith.addi %add3A_1016, %scan3A_1008 : i32
      %swap3A_1018 = arith.index_cast %add3A_1017 : i32 to index
      %swap3A_1019 = arith.constant 16 : index
      %swap3A_1020 = tpu.vector_load %arg5[%swap3A_1018, %swap3A_1019] {strides = array<i32>} : memref<206x128xf32, #tpu.memory_space<vmem>>, vector<1x16xf32>,
      %swap3A_1021 = vector.shape_cast %swap3A_1020 : vector<1x16xf32> to vector<16xf32>
      %swap3A_1022 = vector.shape_cast %get3A_230 : vector<16xf32> to vector<1x16xf32>
      tpu.vector_store %arg5[%swap3A_1018, %swap3A_1019], %swap3A_1022 {strides = array<i32>} : memref<206x128xf32, #tpu.memory_space<vmem>>, vector<1x16xf32>,
      %add3A_1023 = arith.constant 66 : i32
      %add3A_1024 = arith.addi %add3A_1023, %scan3A_1008 : i32
      %swap3A_1025 = arith.index_cast %add3A_1024 : i32 to index
      %swap3A_1026 = arith.constant 32 : index
      %swap3A_1027 = tpu.vector_load %arg5[%swap3A_1025, %swap3A_1026] {strides = array<i32>} : memref<206x128xf32, #tpu.memory_space<vmem>>, vector<1x16xf32>,
      %swap3A_1028 = vector.shape_cast %swap3A_1027 : vector<1x16xf32> to vector<16xf32>
      %swap3A_1029 = vector.shape_cast %get3A_235 : vector<16xf32> to vector<1x16xf32>
      tpu.vector_store %arg5[%swap3A_1025, %swap3A_1026], %swap3A_1029 {strides = array<i32>} : memref<206x128xf32, #tpu.memory_space<vmem>>, vector<1x16xf32>,
      %add3A_1030 = arith.constant 66 : i32
      %add3A_1031 = arith.addi %add3A_1030, %scan3A_1008 : i32
      %swap3A_1032 = arith.index_cast %add3A_1031 : i32 to index
      %swap3A_1033 = arith.constant 48 : index
      %swap3A_1034 = tpu.vector_load %arg5[%swap3A_1032, %swap3A_1033] {strides = array<i32>} : memref<206x128xf32, #tpu.memory_space<vmem>>, vector<1x16xf32>,
      %swap3A_1035 = vector.shape_cast %swap3A_1034 : vector<1x16xf32> to vector<16xf32>
      %swap3A_1036 = vector.shape_cast %get3A_240 : vector<16xf32> to vector<1x16xf32>
      tpu.vector_store %arg5[%swap3A_1032, %swap3A_1033], %swap3A_1036 {strides = array<i32>} : memref<206x128xf32, #tpu.memory_space<vmem>>, vector<1x16xf32>,
      %add3A_1037 = arith.constant 66 : i32
      %add3A_1038 = arith.addi %add3A_1037, %scan3A_1008 : i32
      %swap3A_1039 = arith.index_cast %add3A_1038 : i32 to index
      %swap3A_1040 = arith.constant 64 : index
      %swap3A_1041 = tpu.vector_load %arg5[%swap3A_1039, %swap3A_1040] {strides = array<i32>} : memref<206x128xf32, #tpu.memory_space<vmem>>, vector<1x16xf32>,
      %swap3A_1042 = vector.shape_cast %swap3A_1041 : vector<1x16xf32> to vector<16xf32>
      %swap3A_1043 = vector.shape_cast %get3A_245 : vector<16xf32> to vector<1x16xf32>
      tpu.vector_store %arg5[%swap3A_1039, %swap3A_1040], %swap3A_1043 {strides = array<i32>} : memref<206x128xf32, #tpu.memory_space<vmem>>, vector<1x16xf32>,
      %add3A_1044 = arith.constant 66 : i32
      %add3A_1045 = arith.addi %add3A_1044, %scan3A_1008 : i32
      %swap3A_1046 = arith.index_cast %add3A_1045 : i32 to index
      %swap3A_1047 = arith.constant 80 : index
      %swap3A_1048 = tpu.vector_load %arg5[%swap3A_1046, %swap3A_1047] {strides = array<i32>} : memref<206x128xf32, #tpu.memory_space<vmem>>, vector<1x16xf32>,
      %swap3A_1049 = vector.shape_cast %swap3A_1048 : vector<1x16xf32> to vector<16xf32>
      %swap3A_1050 = vector.shape_cast %get3A_250 : vector<16xf32> to vector<1x16xf32>
      tpu.vector_store %arg5[%swap3A_1046, %swap3A_1047], %swap3A_1050 {strides = array<i32>} : memref<206x128xf32, #tpu.memory_space<vmem>>, vector<1x16xf32>,
      %add3A_1051 = arith.constant 66 : i32
      %add3A_1052 = arith.addi %add3A_1051, %scan3A_1008 : i32
      %swap3A_1053 = arith.index_cast %add3A_1052 : i32 to index
      %swap3A_1054 = arith.constant 96 : index
      %swap3A_1055 = tpu.vector_load %arg5[%swap3A_1053, %swap3A_1054] {strides = array<i32>} : memref<206x128xf32, #tpu.memory_space<vmem>>, vector<1x16xf32>,
      %swap3A_1056 = vector.shape_cast %swap3A_1055 : vector<1x16xf32> to vector<16xf32>
      %swap3A_1057 = vector.shape_cast %get3A_255 : vector<16xf32> to vector<1x16xf32>
      tpu.vector_store %arg5[%swap3A_1053, %swap3A_1054], %swap3A_1057 {strides = array<i32>} : memref<206x128xf32, #tpu.memory_space<vmem>>, vector<1x16xf32>,
      %add3A_1058 = arith.constant 66 : i32
      %add3A_1059 = arith.addi %add3A_1058, %scan3A_1008 : i32
      %swap3A_1060 = arith.index_cast %add3A_1059 : i32 to index
      %swap3A_1061 = arith.constant 112 : index
      %swap3A_1062 = tpu.vector_load %arg5[%swap3A_1060, %swap3A_1061] {strides = array<i32>} : memref<206x128xf32, #tpu.memory_space<vmem>>, vector<1x16xf32>,
      %swap3A_1063 = vector.shape_cast %swap3A_1062 : vector<1x16xf32> to vector<16xf32>
      %swap3A_1064 = vector.shape_cast %get3A_260 : vector<16xf32> to vector<1x16xf32>
      tpu.vector_store %arg5[%swap3A_1060, %swap3A_1061], %swap3A_1064 {strides = array<i32>} : memref<206x128xf32, #tpu.memory_space<vmem>>, vector<1x16xf32>,
      %scan3A_1065 = arith.constant 0 : i32
      %scan3A_1066 = arith.constant 3 : i32
      %scan3A_1067 = arith.addi %scan3A_889, %scan3A_1066 : i32
      %add3A_1068 = arith.constant 66 : i32
      %add3A_1069 = arith.addi %add3A_1068, %scan3A_1067 : i32
      %swap3A_1070 = arith.index_cast %add3A_1069 : i32 to index
      %swap3A_1071 = arith.constant 0 : index
      %swap3A_1072 = tpu.vector_load %arg5[%swap3A_1070, %swap3A_1071] {strides = array<i32>} : memref<206x128xf32, #tpu.memory_space<vmem>>, vector<1x16xf32>,
      %swap3A_1073 = vector.shape_cast %swap3A_1072 : vector<1x16xf32> to vector<16xf32>
      %swap3A_1074 = vector.shape_cast %get3A_225 : vector<16xf32> to vector<1x16xf32>
      tpu.vector_store %arg5[%swap3A_1070, %swap3A_1071], %swap3A_1074 {strides = array<i32>} : memref<206x128xf32, #tpu.memory_space<vmem>>, vector<1x16xf32>,
      %add3A_1075 = arith.constant 66 : i32
      %add3A_1076 = arith.addi %add3A_1075, %scan3A_1067 : i32
      %swap3A_1077 = arith.index_cast %add3A_1076 : i32 to index
      %swap3A_1078 = arith.constant 16 : index
      %swap3A_1079 = tpu.vector_load %arg5[%swap3A_1077, %swap3A_1078] {strides = array<i32>} : memref<206x128xf32, #tpu.memory_space<vmem>>, vector<1x16xf32>,
      %swap3A_1080 = vector.shape_cast %swap3A_1079 : vector<1x16xf32> to vector<16xf32>
      %swap3A_1081 = vector.shape_cast %get3A_230 : vector<16xf32> to vector<1x16xf32>
      tpu.vector_store %arg5[%swap3A_1077, %swap3A_1078], %swap3A_1081 {strides = array<i32>} : memref<206x128xf32, #tpu.memory_space<vmem>>, vector<1x16xf32>,
      %add3A_1082 = arith.constant 66 : i32
      %add3A_1083 = arith.addi %add3A_1082, %scan3A_1067 : i32
      %swap3A_1084 = arith.index_cast %add3A_1083 : i32 to index
      %swap3A_1085 = arith.constant 32 : index
      %swap3A_1086 = tpu.vector_load %arg5[%swap3A_1084, %swap3A_1085] {strides = array<i32>} : memref<206x128xf32, #tpu.memory_space<vmem>>, vector<1x16xf32>,
      %swap3A_1087 = vector.shape_cast %swap3A_1086 : vector<1x16xf32> to vector<16xf32>
      %swap3A_1088 = vector.shape_cast %get3A_235 : vector<16xf32> to vector<1x16xf32>
      tpu.vector_store %arg5[%swap3A_1084, %swap3A_1085], %swap3A_1088 {strides = array<i32>} : memref<206x128xf32, #tpu.memory_space<vmem>>, vector<1x16xf32>,
      %add3A_1089 = arith.constant 66 : i32
      %add3A_1090 = arith.addi %add3A_1089, %scan3A_1067 : i32
      %swap3A_1091 = arith.index_cast %add3A_1090 : i32 to index
      %swap3A_1092 = arith.constant 48 : index
      %swap3A_1093 = tpu.vector_load %arg5[%swap3A_1091, %swap3A_1092] {strides = array<i32>} : memref<206x128xf32, #tpu.memory_space<vmem>>, vector<1x16xf32>,
      %swap3A_1094 = vector.shape_cast %swap3A_1093 : vector<1x16xf32> to vector<16xf32>
      %swap3A_1095 = vector.shape_cast %get3A_240 : vector<16xf32> to vector<1x16xf32>
      tpu.vector_store %arg5[%swap3A_1091, %swap3A_1092], %swap3A_1095 {strides = array<i32>} : memref<206x128xf32, #tpu.memory_space<vmem>>, vector<1x16xf32>,
      %add3A_1096 = arith.constant 66 : i32
      %add3A_1097 = arith.addi %add3A_1096, %scan3A_1067 : i32
      %swap3A_1098 = arith.index_cast %add3A_1097 : i32 to index
      %swap3A_1099 = arith.constant 64 : index
      %swap3A_1100 = tpu.vector_load %arg5[%swap3A_1098, %swap3A_1099] {strides = array<i32>} : memref<206x128xf32, #tpu.memory_space<vmem>>, vector<1x16xf32>,
      %swap3A_1101 = vector.shape_cast %swap3A_1100 : vector<1x16xf32> to vector<16xf32>
      %swap3A_1102 = vector.shape_cast %get3A_245 : vector<16xf32> to vector<1x16xf32>
      tpu.vector_store %arg5[%swap3A_1098, %swap3A_1099], %swap3A_1102 {strides = array<i32>} : memref<206x128xf32, #tpu.memory_space<vmem>>, vector<1x16xf32>,
      %add3A_1103 = arith.constant 66 : i32
      %add3A_1104 = arith.addi %add3A_1103, %scan3A_1067 : i32
      %swap3A_1105 = arith.index_cast %add3A_1104 : i32 to index
      %swap3A_1106 = arith.constant 80 : index
      %swap3A_1107 = tpu.vector_load %arg5[%swap3A_1105, %swap3A_1106] {strides = array<i32>} : memref<206x128xf32, #tpu.memory_space<vmem>>, vector<1x16xf32>,
      %swap3A_1108 = vector.shape_cast %swap3A_1107 : vector<1x16xf32> to vector<16xf32>
      %swap3A_1109 = vector.shape_cast %get3A_250 : vector<16xf32> to vector<1x16xf32>
      tpu.vector_store %arg5[%swap3A_1105, %swap3A_1106], %swap3A_1109 {strides = array<i32>} : memref<206x128xf32, #tpu.memory_space<vmem>>, vector<1x16xf32>,
      %add3A_1110 = arith.constant 66 : i32
      %add3A_1111 = arith.addi %add3A_1110, %scan3A_1067 : i32
      %swap3A_1112 = arith.index_cast %add3A_1111 : i32 to index
      %swap3A_1113 = arith.constant 96 : index
      %swap3A_1114 = tpu.vector_load %arg5[%swap3A_1112, %swap3A_1113] {strides = array<i32>} : memref<206x128xf32, #tpu.memory_space<vmem>>, vector<1x16xf32>,
      %swap3A_1115 = vector.shape_cast %swap3A_1114 : vector<1x16xf32> to vector<16xf32>
      %swap3A_1116 = vector.shape_cast %get3A_255 : vector<16xf32> to vector<1x16xf32>
      tpu.vector_store %arg5[%swap3A_1112, %swap3A_1113], %swap3A_1116 {strides = array<i32>} : memref<206x128xf32, #tpu.memory_space<vmem>>, vector<1x16xf32>,
      %add3A_1117 = arith.constant 66 : i32
      %add3A_1118 = arith.addi %add3A_1117, %scan3A_1067 : i32
      %swap3A_1119 = arith.index_cast %add3A_1118 : i32 to index
      %swap3A_1120 = arith.constant 112 : index
      %swap3A_1121 = tpu.vector_load %arg5[%swap3A_1119, %swap3A_1120] {strides = array<i32>} : memref<206x128xf32, #tpu.memory_space<vmem>>, vector<1x16xf32>,
      %swap3A_1122 = vector.shape_cast %swap3A_1121 : vector<1x16xf32> to vector<16xf32>
      %swap3A_1123 = vector.shape_cast %get3A_260 : vector<16xf32> to vector<1x16xf32>
      tpu.vector_store %arg5[%swap3A_1119, %swap3A_1120], %swap3A_1123 {strides = array<i32>} : memref<206x128xf32, #tpu.memory_space<vmem>>, vector<1x16xf32>,
      %scan3A_1124 = arith.constant 0 : i32
      scf.yield %scan3A_1124 : i32
    }
    %scan3A_267 = arith.constant 100 : i32
    %get3A_268 = arith.constant 5 : i32
    %get3A_269 = arith.index_cast %get3A_268 : i32 to index
    %get3A_270 = arith.constant 0 : index
    %get3A_271 = tpu.vector_load %arg4[%get3A_269, %get3A_270] {strides = array<i32>} : memref<6x128xf32, #tpu.memory_space<vmem>>, vector<1x16xf32>,
    %get3A_272 = vector.shape_cast %get3A_271 : vector<1x16xf32> to vector<16xf32>
    %get3A_273 = arith.constant 5 : i32
    %get3A_274 = arith.index_cast %get3A_273 : i32 to index
    %get3A_275 = arith.constant 16 : index
    %get3A_276 = tpu.vector_load %arg4[%get3A_274, %get3A_275] {strides = array<i32>} : memref<6x128xf32, #tpu.memory_space<vmem>>, vector<1x16xf32>,
    %get3A_277 = vector.shape_cast %get3A_276 : vector<1x16xf32> to vector<16xf32>
    %get3A_278 = arith.constant 5 : i32
    %get3A_279 = arith.index_cast %get3A_278 : i32 to index
    %get3A_280 = arith.constant 32 : index
    %get3A_281 = tpu.vector_load %arg4[%get3A_279, %get3A_280] {strides = array<i32>} : memref<6x128xf32, #tpu.memory_space<vmem>>, vector<1x16xf32>,
    %get3A_282 = vector.shape_cast %get3A_281 : vector<1x16xf32> to vector<16xf32>
    %get3A_283 = arith.constant 5 : i32
    %get3A_284 = arith.index_cast %get3A_283 : i32 to index
    %get3A_285 = arith.constant 48 : index
    %get3A_286 = tpu.vector_load %arg4[%get3A_284, %get3A_285] {strides = array<i32>} : memref<6x128xf32, #tpu.memory_space<vmem>>, vector<1x16xf32>,
    %get3A_287 = vector.shape_cast %get3A_286 : vector<1x16xf32> to vector<16xf32>
    %get3A_288 = arith.constant 5 : i32
    %get3A_289 = arith.index_cast %get3A_288 : i32 to index
    %get3A_290 = arith.constant 64 : index
    %get3A_291 = tpu.vector_load %arg4[%get3A_289, %get3A_290] {strides = array<i32>} : memref<6x128xf32, #tpu.memory_space<vmem>>, vector<1x16xf32>,
    %get3A_292 = vector.shape_cast %get3A_291 : vector<1x16xf32> to vector<16xf32>
    %get3A_293 = arith.constant 5 : i32
    %get3A_294 = arith.index_cast %get3A_293 : i32 to index
    %get3A_295 = arith.constant 80 : index
    %get3A_296 = tpu.vector_load %arg4[%get3A_294, %get3A_295] {strides = array<i32>} : memref<6x128xf32, #tpu.memory_space<vmem>>, vector<1x16xf32>,
    %get3A_297 = vector.shape_cast %get3A_296 : vector<1x16xf32> to vector<16xf32>
    %get3A_298 = arith.constant 5 : i32
    %get3A_299 = arith.index_cast %get3A_298 : i32 to index
    %get3A_300 = arith.constant 96 : index
    %get3A_301 = tpu.vector_load %arg4[%get3A_299, %get3A_300] {strides = array<i32>} : memref<6x128xf32, #tpu.memory_space<vmem>>, vector<1x16xf32>,
    %get3A_302 = vector.shape_cast %get3A_301 : vector<1x16xf32> to vector<16xf32>
    %get3A_303 = arith.constant 5 : i32
    %get3A_304 = arith.index_cast %get3A_303 : i32 to index
    %get3A_305 = arith.constant 112 : index
    %get3A_306 = tpu.vector_load %arg4[%get3A_304, %get3A_305] {strides = array<i32>} : memref<6x128xf32, #tpu.memory_space<vmem>>, vector<1x16xf32>,
    %get3A_307 = vector.shape_cast %get3A_306 : vector<1x16xf32> to vector<16xf32>
    %scan3A_308 = arith.constant 0 : i32
    %scan3A_309 = arith.constant 0 : i32
    %scan3A_310 = arith.constant 40 : i32
    %scan3A_311 = arith.addi %scan3A_309, %scan3A_310 : i32
    %scan3A_312 = arith.constant 4 : i32
    %scan3A_313 = scf.for %scan3A_889 = %scan3A_309 to %scan3A_311 step %scan3A_312 iter_args(%scan3A_890 = %scan3A_308) -> (i32)  : i32 {
      %add3A_891 = arith.constant 166 : i32
      %add3A_892 = arith.addi %add3A_891, %scan3A_889 : i32
      %swap3A_893 = arith.index_cast %add3A_892 : i32 to index
      %swap3A_894 = arith.constant 0 : index
      %swap3A_895 = tpu.vector_load %arg5[%swap3A_893, %swap3A_894] {strides = array<i32>} : memref<206x128xf32, #tpu.memory_space<vmem>>, vector<1x16xf32>,
      %swap3A_896 = vector.shape_cast %swap3A_895 : vector<1x16xf32> to vector<16xf32>
      %swap3A_897 = vector.shape_cast %get3A_272 : vector<16xf32> to vector<1x16xf32>
      tpu.vector_store %arg5[%swap3A_893, %swap3A_894], %swap3A_897 {strides = array<i32>} : memref<206x128xf32, #tpu.memory_space<vmem>>, vector<1x16xf32>,
      %add3A_898 = arith.constant 166 : i32
      %add3A_899 = arith.addi %add3A_898, %scan3A_889 : i32
      %swap3A_900 = arith.index_cast %add3A_899 : i32 to index
      %swap3A_901 = arith.constant 16 : index
      %swap3A_902 = tpu.vector_load %arg5[%swap3A_900, %swap3A_901] {strides = array<i32>} : memref<206x128xf32, #tpu.memory_space<vmem>>, vector<1x16xf32>,
      %swap3A_903 = vector.shape_cast %swap3A_902 : vector<1x16xf32> to vector<16xf32>
      %swap3A_904 = vector.shape_cast %get3A_277 : vector<16xf32> to vector<1x16xf32>
      tpu.vector_store %arg5[%swap3A_900, %swap3A_901], %swap3A_904 {strides = array<i32>} : memref<206x128xf32, #tpu.memory_space<vmem>>, vector<1x16xf32>,
      %add3A_905 = arith.constant 166 : i32
      %add3A_906 = arith.addi %add3A_905, %scan3A_889 : i32
      %swap3A_907 = arith.index_cast %add3A_906 : i32 to index
      %swap3A_908 = arith.constant 32 : index
      %swap3A_909 = tpu.vector_load %arg5[%swap3A_907, %swap3A_908] {strides = array<i32>} : memref<206x128xf32, #tpu.memory_space<vmem>>, vector<1x16xf32>,
      %swap3A_910 = vector.shape_cast %swap3A_909 : vector<1x16xf32> to vector<16xf32>
      %swap3A_911 = vector.shape_cast %get3A_282 : vector<16xf32> to vector<1x16xf32>
      tpu.vector_store %arg5[%swap3A_907, %swap3A_908], %swap3A_911 {strides = array<i32>} : memref<206x128xf32, #tpu.memory_space<vmem>>, vector<1x16xf32>,
      %add3A_912 = arith.constant 166 : i32
      %add3A_913 = arith.addi %add3A_912, %scan3A_889 : i32
      %swap3A_914 = arith.index_cast %add3A_913 : i32 to index
      %swap3A_915 = arith.constant 48 : index
      %swap3A_916 = tpu.vector_load %arg5[%swap3A_914, %swap3A_915] {strides = array<i32>} : memref<206x128xf32, #tpu.memory_space<vmem>>, vector<1x16xf32>,
      %swap3A_917 = vector.shape_cast %swap3A_916 : vector<1x16xf32> to vector<16xf32>
      %swap3A_918 = vector.shape_cast %get3A_287 : vector<16xf32> to vector<1x16xf32>
      tpu.vector_store %arg5[%swap3A_914, %swap3A_915], %swap3A_918 {strides = array<i32>} : memref<206x128xf32, #tpu.memory_space<vmem>>, vector<1x16xf32>,
      %add3A_919 = arith.constant 166 : i32
      %add3A_920 = arith.addi %add3A_919, %scan3A_889 : i32
      %swap3A_921 = arith.index_cast %add3A_920 : i32 to index
      %swap3A_922 = arith.constant 64 : index
      %swap3A_923 = tpu.vector_load %arg5[%swap3A_921, %swap3A_922] {strides = array<i32>} : memref<206x128xf32, #tpu.memory_space<vmem>>, vector<1x16xf32>,
      %swap3A_924 = vector.shape_cast %swap3A_923 : vector<1x16xf32> to vector<16xf32>
      %swap3A_925 = vector.shape_cast %get3A_292 : vector<16xf32> to vector<1x16xf32>
      tpu.vector_store %arg5[%swap3A_921, %swap3A_922], %swap3A_925 {strides = array<i32>} : memref<206x128xf32, #tpu.memory_space<vmem>>, vector<1x16xf32>,
      %add3A_926 = arith.constant 166 : i32
      %add3A_927 = arith.addi %add3A_926, %scan3A_889 : i32
      %swap3A_928 = arith.index_cast %add3A_927 : i32 to index
      %swap3A_929 = arith.constant 80 : index
      %swap3A_930 = tpu.vector_load %arg5[%swap3A_928, %swap3A_929] {strides = array<i32>} : memref<206x128xf32, #tpu.memory_space<vmem>>, vector<1x16xf32>,
      %swap3A_931 = vector.shape_cast %swap3A_930 : vector<1x16xf32> to vector<16xf32>
      %swap3A_932 = vector.shape_cast %get3A_297 : vector<16xf32> to vector<1x16xf32>
      tpu.vector_store %arg5[%swap3A_928, %swap3A_929], %swap3A_932 {strides = array<i32>} : memref<206x128xf32, #tpu.memory_space<vmem>>, vector<1x16xf32>,
      %add3A_933 = arith.constant 166 : i32
      %add3A_934 = arith.addi %add3A_933, %scan3A_889 : i32
      %swap3A_935 = arith.index_cast %add3A_934 : i32 to index
      %swap3A_936 = arith.constant 96 : index
      %swap3A_937 = tpu.vector_load %arg5[%swap3A_935, %swap3A_936] {strides = array<i32>} : memref<206x128xf32, #tpu.memory_space<vmem>>, vector<1x16xf32>,
      %swap3A_938 = vector.shape_cast %swap3A_937 : vector<1x16xf32> to vector<16xf32>
      %swap3A_939 = vector.shape_cast %get3A_302 : vector<16xf32> to vector<1x16xf32>
      tpu.vector_store %arg5[%swap3A_935, %swap3A_936], %swap3A_939 {strides = array<i32>} : memref<206x128xf32, #tpu.memory_space<vmem>>, vector<1x16xf32>,
      %add3A_940 = arith.constant 166 : i32
      %add3A_941 = arith.addi %add3A_940, %scan3A_889 : i32
      %swap3A_942 = arith.index_cast %add3A_941 : i32 to index
      %swap3A_943 = arith.constant 112 : index
      %swap3A_944 = tpu.vector_load %arg5[%swap3A_942, %swap3A_943] {strides = array<i32>} : memref<206x128xf32, #tpu.memory_space<vmem>>, vector<1x16xf32>,
      %swap3A_945 = vector.shape_cast %swap3A_944 : vector<1x16xf32> to vector<16xf32>
      %swap3A_946 = vector.shape_cast %get3A_307 : vector<16xf32> to vector<1x16xf32>
      tpu.vector_store %arg5[%swap3A_942, %swap3A_943], %swap3A_946 {strides = array<i32>} : memref<206x128xf32, #tpu.memory_space<vmem>>, vector<1x16xf32>,
      %scan3A_947 = arith.constant 0 : i32
      %scan3A_948 = arith.constant 1 : i32
      %scan3A_949 = arith.addi %scan3A_889, %scan3A_948 : i32
      %add3A_950 = arith.constant 166 : i32
      %add3A_951 = arith.addi %add3A_950, %scan3A_949 : i32
      %swap3A_952 = arith.index_cast %add3A_951 : i32 to index
      %swap3A_953 = arith.constant 0 : index
      %swap3A_954 = tpu.vector_load %arg5[%swap3A_952, %swap3A_953] {strides = array<i32>} : memref<206x128xf32, #tpu.memory_space<vmem>>, vector<1x16xf32>,
      %swap3A_955 = vector.shape_cast %swap3A_954 : vector<1x16xf32> to vector<16xf32>
      %swap3A_956 = vector.shape_cast %get3A_272 : vector<16xf32> to vector<1x16xf32>
      tpu.vector_store %arg5[%swap3A_952, %swap3A_953], %swap3A_956 {strides = array<i32>} : memref<206x128xf32, #tpu.memory_space<vmem>>, vector<1x16xf32>,
      %add3A_957 = arith.constant 166 : i32
      %add3A_958 = arith.addi %add3A_957, %scan3A_949 : i32
      %swap3A_959 = arith.index_cast %add3A_958 : i32 to index
      %swap3A_960 = arith.constant 16 : index
      %swap3A_961 = tpu.vector_load %arg5[%swap3A_959, %swap3A_960] {strides = array<i32>} : memref<206x128xf32, #tpu.memory_space<vmem>>, vector<1x16xf32>,
      %swap3A_962 = vector.shape_cast %swap3A_961 : vector<1x16xf32> to vector<16xf32>
      %swap3A_963 = vector.shape_cast %get3A_277 : vector<16xf32> to vector<1x16xf32>
      tpu.vector_store %arg5[%swap3A_959, %swap3A_960], %swap3A_963 {strides = array<i32>} : memref<206x128xf32, #tpu.memory_space<vmem>>, vector<1x16xf32>,
      %add3A_964 = arith.constant 166 : i32
      %add3A_965 = arith.addi %add3A_964, %scan3A_949 : i32
      %swap3A_966 = arith.index_cast %add3A_965 : i32 to index
      %swap3A_967 = arith.constant 32 : index
      %swap3A_968 = tpu.vector_load %arg5[%swap3A_966, %swap3A_967] {strides = array<i32>} : memref<206x128xf32, #tpu.memory_space<vmem>>, vector<1x16xf32>,
      %swap3A_969 = vector.shape_cast %swap3A_968 : vector<1x16xf32> to vector<16xf32>
      %swap3A_970 = vector.shape_cast %get3A_282 : vector<16xf32> to vector<1x16xf32>
      tpu.vector_store %arg5[%swap3A_966, %swap3A_967], %swap3A_970 {strides = array<i32>} : memref<206x128xf32, #tpu.memory_space<vmem>>, vector<1x16xf32>,
      %add3A_971 = arith.constant 166 : i32
      %add3A_972 = arith.addi %add3A_971, %scan3A_949 : i32
      %swap3A_973 = arith.index_cast %add3A_972 : i32 to index
      %swap3A_974 = arith.constant 48 : index
      %swap3A_975 = tpu.vector_load %arg5[%swap3A_973, %swap3A_974] {strides = array<i32>} : memref<206x128xf32, #tpu.memory_space<vmem>>, vector<1x16xf32>,
      %swap3A_976 = vector.shape_cast %swap3A_975 : vector<1x16xf32> to vector<16xf32>
      %swap3A_977 = vector.shape_cast %get3A_287 : vector<16xf32> to vector<1x16xf32>
      tpu.vector_store %arg5[%swap3A_973, %swap3A_974], %swap3A_977 {strides = array<i32>} : memref<206x128xf32, #tpu.memory_space<vmem>>, vector<1x16xf32>,
      %add3A_978 = arith.constant 166 : i32
      %add3A_979 = arith.addi %add3A_978, %scan3A_949 : i32
      %swap3A_980 = arith.index_cast %add3A_979 : i32 to index
      %swap3A_981 = arith.constant 64 : index
      %swap3A_982 = tpu.vector_load %arg5[%swap3A_980, %swap3A_981] {strides = array<i32>} : memref<206x128xf32, #tpu.memory_space<vmem>>, vector<1x16xf32>,
      %swap3A_983 = vector.shape_cast %swap3A_982 : vector<1x16xf32> to vector<16xf32>
      %swap3A_984 = vector.shape_cast %get3A_292 : vector<16xf32> to vector<1x16xf32>
      tpu.vector_store %arg5[%swap3A_980, %swap3A_981], %swap3A_984 {strides = array<i32>} : memref<206x128xf32, #tpu.memory_space<vmem>>, vector<1x16xf32>,
      %add3A_985 = arith.constant 166 : i32
      %add3A_986 = arith.addi %add3A_985, %scan3A_949 : i32
      %swap3A_987 = arith.index_cast %add3A_986 : i32 to index
      %swap3A_988 = arith.constant 80 : index
      %swap3A_989 = tpu.vector_load %arg5[%swap3A_987, %swap3A_988] {strides = array<i32>} : memref<206x128xf32, #tpu.memory_space<vmem>>, vector<1x16xf32>,
      %swap3A_990 = vector.shape_cast %swap3A_989 : vector<1x16xf32> to vector<16xf32>
      %swap3A_991 = vector.shape_cast %get3A_297 : vector<16xf32> to vector<1x16xf32>
      tpu.vector_store %arg5[%swap3A_987, %swap3A_988], %swap3A_991 {strides = array<i32>} : memref<206x128xf32, #tpu.memory_space<vmem>>, vector<1x16xf32>,
      %add3A_992 = arith.constant 166 : i32
      %add3A_993 = arith.addi %add3A_992, %scan3A_949 : i32
      %swap3A_994 = arith.index_cast %add3A_993 : i32 to index
      %swap3A_995 = arith.constant 96 : index
      %swap3A_996 = tpu.vector_load %arg5[%swap3A_994, %swap3A_995] {strides = array<i32>} : memref<206x128xf32, #tpu.memory_space<vmem>>, vector<1x16xf32>,
      %swap3A_997 = vector.shape_cast %swap3A_996 : vector<1x16xf32> to vector<16xf32>
      %swap3A_998 = vector.shape_cast %get3A_302 : vector<16xf32> to vector<1x16xf32>
      tpu.vector_store %arg5[%swap3A_994, %swap3A_995], %swap3A_998 {strides = array<i32>} : memref<206x128xf32, #tpu.memory_space<vmem>>, vector<1x16xf32>,
      %add3A_999 = arith.constant 166 : i32
      %add3A_1000 = arith.addi %add3A_999, %scan3A_949 : i32
      %swap3A_1001 = arith.index_cast %add3A_1000 : i32 to index
      %swap3A_1002 = arith.constant 112 : index
      %swap3A_1003 = tpu.vector_load %arg5[%swap3A_1001, %swap3A_1002] {strides = array<i32>} : memref<206x128xf32, #tpu.memory_space<vmem>>, vector<1x16xf32>,
      %swap3A_1004 = vector.shape_cast %swap3A_1003 : vector<1x16xf32> to vector<16xf32>
      %swap3A_1005 = vector.shape_cast %get3A_307 : vector<16xf32> to vector<1x16xf32>
      tpu.vector_store %arg5[%swap3A_1001, %swap3A_1002], %swap3A_1005 {strides = array<i32>} : memref<206x128xf32, #tpu.memory_space<vmem>>, vector<1x16xf32>,
      %scan3A_1006 = arith.constant 0 : i32
      %scan3A_1007 = arith.constant 2 : i32
      %scan3A_1008 = arith.addi %scan3A_889, %scan3A_1007 : i32
      %add3A_1009 = arith.constant 166 : i32
      %add3A_1010 = arith.addi %add3A_1009, %scan3A_1008 : i32
      %swap3A_1011 = arith.index_cast %add3A_1010 : i32 to index
      %swap3A_1012 = arith.constant 0 : index
      %swap3A_1013 = tpu.vector_load %arg5[%swap3A_1011, %swap3A_1012] {strides = array<i32>} : memref<206x128xf32, #tpu.memory_space<vmem>>, vector<1x16xf32>,
      %swap3A_1014 = vector.shape_cast %swap3A_1013 : vector<1x16xf32> to vector<16xf32>
      %swap3A_1015 = vector.shape_cast %get3A_272 : vector<16xf32> to vector<1x16xf32>
      tpu.vector_store %arg5[%swap3A_1011, %swap3A_1012], %swap3A_1015 {strides = array<i32>} : memref<206x128xf32, #tpu.memory_space<vmem>>, vector<1x16xf32>,
      %add3A_1016 = arith.constant 166 : i32
      %add3A_1017 = arith.addi %add3A_1016, %scan3A_1008 : i32
      %swap3A_1018 = arith.index_cast %add3A_1017 : i32 to index
      %swap3A_1019 = arith.constant 16 : index
      %swap3A_1020 = tpu.vector_load %arg5[%swap3A_1018, %swap3A_1019] {strides = array<i32>} : memref<206x128xf32, #tpu.memory_space<vmem>>, vector<1x16xf32>,
      %swap3A_1021 = vector.shape_cast %swap3A_1020 : vector<1x16xf32> to vector<16xf32>
      %swap3A_1022 = vector.shape_cast %get3A_277 : vector<16xf32> to vector<1x16xf32>
      tpu.vector_store %arg5[%swap3A_1018, %swap3A_1019], %swap3A_1022 {strides = array<i32>} : memref<206x128xf32, #tpu.memory_space<vmem>>, vector<1x16xf32>,
      %add3A_1023 = arith.constant 166 : i32
      %add3A_1024 = arith.addi %add3A_1023, %scan3A_1008 : i32
      %swap3A_1025 = arith.index_cast %add3A_1024 : i32 to index
      %swap3A_1026 = arith.constant 32 : index
      %swap3A_1027 = tpu.vector_load %arg5[%swap3A_1025, %swap3A_1026] {strides = array<i32>} : memref<206x128xf32, #tpu.memory_space<vmem>>, vector<1x16xf32>,
      %swap3A_1028 = vector.shape_cast %swap3A_1027 : vector<1x16xf32> to vector<16xf32>
      %swap3A_1029 = vector.shape_cast %get3A_282 : vector<16xf32> to vector<1x16xf32>
      tpu.vector_store %arg5[%swap3A_1025, %swap3A_1026], %swap3A_1029 {strides = array<i32>} : memref<206x128xf32, #tpu.memory_space<vmem>>, vector<1x16xf32>,
      %add3A_1030 = arith.constant 166 : i32
      %add3A_1031 = arith.addi %add3A_1030, %scan3A_1008 : i32
      %swap3A_1032 = arith.index_cast %add3A_1031 : i32 to index
      %swap3A_1033 = arith.constant 48 : index
      %swap3A_1034 = tpu.vector_load %arg5[%swap3A_1032, %swap3A_1033] {strides = array<i32>} : memref<206x128xf32, #tpu.memory_space<vmem>>, vector<1x16xf32>,
      %swap3A_1035 = vector.shape_cast %swap3A_1034 : vector<1x16xf32> to vector<16xf32>
      %swap3A_1036 = vector.shape_cast %get3A_287 : vector<16xf32> to vector<1x16xf32>
      tpu.vector_store %arg5[%swap3A_1032, %swap3A_1033], %swap3A_1036 {strides = array<i32>} : memref<206x128xf32, #tpu.memory_space<vmem>>, vector<1x16xf32>,
      %add3A_1037 = arith.constant 166 : i32
      %add3A_1038 = arith.addi %add3A_1037, %scan3A_1008 : i32
      %swap3A_1039 = arith.index_cast %add3A_1038 : i32 to index
      %swap3A_1040 = arith.constant 64 : index
      %swap3A_1041 = tpu.vector_load %arg5[%swap3A_1039, %swap3A_1040] {strides = array<i32>} : memref<206x128xf32, #tpu.memory_space<vmem>>, vector<1x16xf32>,
      %swap3A_1042 = vector.shape_cast %swap3A_1041 : vector<1x16xf32> to vector<16xf32>
      %swap3A_1043 = vector.shape_cast %get3A_292 : vector<16xf32> to vector<1x16xf32>
      tpu.vector_store %arg5[%swap3A_1039, %swap3A_1040], %swap3A_1043 {strides = array<i32>} : memref<206x128xf32, #tpu.memory_space<vmem>>, vector<1x16xf32>,
      %add3A_1044 = arith.constant 166 : i32
      %add3A_1045 = arith.addi %add3A_1044, %scan3A_1008 : i32
      %swap3A_1046 = arith.index_cast %add3A_1045 : i32 to index
      %swap3A_1047 = arith.constant 80 : index
      %swap3A_1048 = tpu.vector_load %arg5[%swap3A_1046, %swap3A_1047] {strides = array<i32>} : memref<206x128xf32, #tpu.memory_space<vmem>>, vector<1x16xf32>,
      %swap3A_1049 = vector.shape_cast %swap3A_1048 : vector<1x16xf32> to vector<16xf32>
      %swap3A_1050 = vector.shape_cast %get3A_297 : vector<16xf32> to vector<1x16xf32>
      tpu.vector_store %arg5[%swap3A_1046, %swap3A_1047], %swap3A_1050 {strides = array<i32>} : memref<206x128xf32, #tpu.memory_space<vmem>>, vector<1x16xf32>,
      %add3A_1051 = arith.constant 166 : i32
      %add3A_1052 = arith.addi %add3A_1051, %scan3A_1008 : i32
      %swap3A_1053 = arith.index_cast %add3A_1052 : i32 to index
      %swap3A_1054 = arith.constant 96 : index
      %swap3A_1055 = tpu.vector_load %arg5[%swap3A_1053, %swap3A_1054] {strides = array<i32>} : memref<206x128xf32, #tpu.memory_space<vmem>>, vector<1x16xf32>,
      %swap3A_1056 = vector.shape_cast %swap3A_1055 : vector<1x16xf32> to vector<16xf32>
      %swap3A_1057 = vector.shape_cast %get3A_302 : vector<16xf32> to vector<1x16xf32>
      tpu.vector_store %arg5[%swap3A_1053, %swap3A_1054], %swap3A_1057 {strides = array<i32>} : memref<206x128xf32, #tpu.memory_space<vmem>>, vector<1x16xf32>,
      %add3A_1058 = arith.constant 166 : i32
      %add3A_1059 = arith.addi %add3A_1058, %scan3A_1008 : i32
      %swap3A_1060 = arith.index_cast %add3A_1059 : i32 to index
      %swap3A_1061 = arith.constant 112 : index
      %swap3A_1062 = tpu.vector_load %arg5[%swap3A_1060, %swap3A_1061] {strides = array<i32>} : memref<206x128xf32, #tpu.memory_space<vmem>>, vector<1x16xf32>,
      %swap3A_1063 = vector.shape_cast %swap3A_1062 : vector<1x16xf32> to vector<16xf32>
      %swap3A_1064 = vector.shape_cast %get3A_307 : vector<16xf32> to vector<1x16xf32>
      tpu.vector_store %arg5[%swap3A_1060, %swap3A_1061], %swap3A_1064 {strides = array<i32>} : memref<206x128xf32, #tpu.memory_space<vmem>>, vector<1x16xf32>,
      %scan3A_1065 = arith.constant 0 : i32
      %scan3A_1066 = arith.constant 3 : i32
      %scan3A_1067 = arith.addi %scan3A_889, %scan3A_1066 : i32
      %add3A_1068 = arith.constant 166 : i32
      %add3A_1069 = arith.addi %add3A_1068, %scan3A_1067 : i32
      %swap3A_1070 = arith.index_cast %add3A_1069 : i32 to index
      %swap3A_1071 = arith.constant 0 : index
      %swap3A_1072 = tpu.vector_load %arg5[%swap3A_1070, %swap3A_1071] {strides = array<i32>} : memref<206x128xf32, #tpu.memory_space<vmem>>, vector<1x16xf32>,
      %swap3A_1073 = vector.shape_cast %swap3A_1072 : vector<1x16xf32> to vector<16xf32>
      %swap3A_1074 = vector.shape_cast %get3A_272 : vector<16xf32> to vector<1x16xf32>
      tpu.vector_store %arg5[%swap3A_1070, %swap3A_1071], %swap3A_1074 {strides = array<i32>} : memref<206x128xf32, #tpu.memory_space<vmem>>, vector<1x16xf32>,
      %add3A_1075 = arith.constant 166 : i32
      %add3A_1076 = arith.addi %add3A_1075, %scan3A_1067 : i32
      %swap3A_1077 = arith.index_cast %add3A_1076 : i32 to index
      %swap3A_1078 = arith.constant 16 : index
      %swap3A_1079 = tpu.vector_load %arg5[%swap3A_1077, %swap3A_1078] {strides = array<i32>} : memref<206x128xf32, #tpu.memory_space<vmem>>, vector<1x16xf32>,
      %swap3A_1080 = vector.shape_cast %swap3A_1079 : vector<1x16xf32> to vector<16xf32>
      %swap3A_1081 = vector.shape_cast %get3A_277 : vector<16xf32> to vector<1x16xf32>
      tpu.vector_store %arg5[%swap3A_1077, %swap3A_1078], %swap3A_1081 {strides = array<i32>} : memref<206x128xf32, #tpu.memory_space<vmem>>, vector<1x16xf32>,
      %add3A_1082 = arith.constant 166 : i32
      %add3A_1083 = arith.addi %add3A_1082, %scan3A_1067 : i32
      %swap3A_1084 = arith.index_cast %add3A_1083 : i32 to index
      %swap3A_1085 = arith.constant 32 : index
      %swap3A_1086 = tpu.vector_load %arg5[%swap3A_1084, %swap3A_1085] {strides = array<i32>} : memref<206x128xf32, #tpu.memory_space<vmem>>, vector<1x16xf32>,
      %swap3A_1087 = vector.shape_cast %swap3A_1086 : vector<1x16xf32> to vector<16xf32>
      %swap3A_1088 = vector.shape_cast %get3A_282 : vector<16xf32> to vector<1x16xf32>
      tpu.vector_store %arg5[%swap3A_1084, %swap3A_1085], %swap3A_1088 {strides = array<i32>} : memref<206x128xf32, #tpu.memory_space<vmem>>, vector<1x16xf32>,
      %add3A_1089 = arith.constant 166 : i32
      %add3A_1090 = arith.addi %add3A_1089, %scan3A_1067 : i32
      %swap3A_1091 = arith.index_cast %add3A_1090 : i32 to index
      %swap3A_1092 = arith.constant 48 : index
      %swap3A_1093 = tpu.vector_load %arg5[%swap3A_1091, %swap3A_1092] {strides = array<i32>} : memref<206x128xf32, #tpu.memory_space<vmem>>, vector<1x16xf32>,
      %swap3A_1094 = vector.shape_cast %swap3A_1093 : vector<1x16xf32> to vector<16xf32>
      %swap3A_1095 = vector.shape_cast %get3A_287 : vector<16xf32> to vector<1x16xf32>
      tpu.vector_store %arg5[%swap3A_1091, %swap3A_1092], %swap3A_1095 {strides = array<i32>} : memref<206x128xf32, #tpu.memory_space<vmem>>, vector<1x16xf32>,
      %add3A_1096 = arith.constant 166 : i32
      %add3A_1097 = arith.addi %add3A_1096, %scan3A_1067 : i32
      %swap3A_1098 = arith.index_cast %add3A_1097 : i32 to index
      %swap3A_1099 = arith.constant 64 : index
      %swap3A_1100 = tpu.vector_load %arg5[%swap3A_1098, %swap3A_1099] {strides = array<i32>} : memref<206x128xf32, #tpu.memory_space<vmem>>, vector<1x16xf32>,
      %swap3A_1101 = vector.shape_cast %swap3A_1100 : vector<1x16xf32> to vector<16xf32>
      %swap3A_1102 = vector.shape_cast %get3A_292 : vector<16xf32> to vector<1x16xf32>
      tpu.vector_store %arg5[%swap3A_1098, %swap3A_1099], %swap3A_1102 {strides = array<i32>} : memref<206x128xf32, #tpu.memory_space<vmem>>, vector<1x16xf32>,
      %add3A_1103 = arith.constant 166 : i32
      %add3A_1104 = arith.addi %add3A_1103, %scan3A_1067 : i32
      %swap3A_1105 = arith.index_cast %add3A_1104 : i32 to index
      %swap3A_1106 = arith.constant 80 : index
      %swap3A_1107 = tpu.vector_load %arg5[%swap3A_1105, %swap3A_1106] {strides = array<i32>} : memref<206x128xf32, #tpu.memory_space<vmem>>, vector<1x16xf32>,
      %swap3A_1108 = vector.shape_cast %swap3A_1107 : vector<1x16xf32> to vector<16xf32>
      %swap3A_1109 = vector.shape_cast %get3A_297 : vector<16xf32> to vector<1x16xf32>
      tpu.vector_store %arg5[%swap3A_1105, %swap3A_1106], %swap3A_1109 {strides = array<i32>} : memref<206x128xf32, #tpu.memory_space<vmem>>, vector<1x16xf32>,
      %add3A_1110 = arith.constant 166 : i32
      %add3A_1111 = arith.addi %add3A_1110, %scan3A_1067 : i32
      %swap3A_1112 = arith.index_cast %add3A_1111 : i32 to index
      %swap3A_1113 = arith.constant 96 : index
      %swap3A_1114 = tpu.vector_load %arg5[%swap3A_1112, %swap3A_1113] {strides = array<i32>} : memref<206x128xf32, #tpu.memory_space<vmem>>, vector<1x16xf32>,
      %swap3A_1115 = vector.shape_cast %swap3A_1114 : vector<1x16xf32> to vector<16xf32>
      %swap3A_1116 = vector.shape_cast %get3A_302 : vector<16xf32> to vector<1x16xf32>
      tpu.vector_store %arg5[%swap3A_1112, %swap3A_1113], %swap3A_1116 {strides = array<i32>} : memref<206x128xf32, #tpu.memory_space<vmem>>, vector<1x16xf32>,
      %add3A_1117 = arith.constant 166 : i32
      %add3A_1118 = arith.addi %add3A_1117, %scan3A_1067 : i32
      %swap3A_1119 = arith.index_cast %add3A_1118 : i32 to index
      %swap3A_1120 = arith.constant 112 : index
      %swap3A_1121 = tpu.vector_load %arg5[%swap3A_1119, %swap3A_1120] {strides = array<i32>} : memref<206x128xf32, #tpu.memory_space<vmem>>, vector<1x16xf32>,
      %swap3A_1122 = vector.shape_cast %swap3A_1121 : vector<1x16xf32> to vector<16xf32>
      %swap3A_1123 = vector.shape_cast %get3A_307 : vector<16xf32> to vector<1x16xf32>
      tpu.vector_store %arg5[%swap3A_1119, %swap3A_1120], %swap3A_1123 {strides = array<i32>} : memref<206x128xf32, #tpu.memory_space<vmem>>, vector<1x16xf32>,
      %scan3A_1124 = arith.constant 0 : i32
      scf.yield %scan3A_1124 : i32
    }
    %scan3A_314 = arith.constant 40 : i32
    %add3A_315 = arith.constant 0 : i32
    %add3A_316 = arith.addi %add3A, %add3A_315 : i32
    %dma_start3A = arith.constant 0 : i32
    %dma_start3A_317 = arith.constant 0 : i32
    %dma_start3A_318 = tpu.memref_slice %arg3[%add3A_316, %dma_start3A, %dma_start3A_317] : memref<1024x206x128xf32, #tpu.memory_space<hbm>> -> memref<1x206x128xf32, #tpu.memory_space<hbm>>
    %dma_start3A_319 = tpu.memref_squeeze %dma_start3A_318 : memref<1x206x128xf32, #tpu.memory_space<hbm>> -> memref<206x128xf32, #tpu.memory_space<hbm>>
    %dma_start3A_320 = arith.constant 0 : i32
    %dma_start3A_321 = arith.constant 0 : i32
    %dma_start3A_322 = tpu.memref_slice %arg3[%add3A_316, %dma_start3A_320, %dma_start3A_321] : memref<1024x206x128xf32, #tpu.memory_space<hbm>> -> memref<1x206x128xf32, #tpu.memory_space<hbm>>
    %dma_start3A_323 = tpu.memref_squeeze %dma_start3A_322 : memref<1x206x128xf32, #tpu.memory_space<hbm>> -> memref<206x128xf32, #tpu.memory_space<hbm>>
    tpu.enqueue_dma source(%arg5 : memref<206x128xf32, #tpu.memory_space<vmem>>) target(%dma_start3A_323 : memref<206x128xf32, #tpu.memory_space<hbm>>) target_semaphore(%arg6 : memref<!tpu.dma_semaphore, #tpu.memory_space<semaphore_mem>>)
    %add3A_324 = arith.constant 32 : i32
    %add3A_325 = arith.addi %add3A, %add3A_324 : i32
    %dma_start3A_326 = arith.constant 0 : i32
    %dma_start3A_327 = arith.constant 0 : i32
    %dma_start3A_328 = tpu.memref_slice %arg3[%add3A_325, %dma_start3A_326, %dma_start3A_327] : memref<1024x206x128xf32, #tpu.memory_space<hbm>> -> memref<1x206x128xf32, #tpu.memory_space<hbm>>
    %dma_start3A_329 = tpu.memref_squeeze %dma_start3A_328 : memref<1x206x128xf32, #tpu.memory_space<hbm>> -> memref<206x128xf32, #tpu.memory_space<hbm>>
    %dma_start3A_330 = arith.constant 0 : i32
    %dma_start3A_331 = arith.constant 0 : i32
    %dma_start3A_332 = tpu.memref_slice %arg3[%add3A_325, %dma_start3A_330, %dma_start3A_331] : memref<1024x206x128xf32, #tpu.memory_space<hbm>> -> memref<1x206x128xf32, #tpu.memory_space<hbm>>
    %dma_start3A_333 = tpu.memref_squeeze %dma_start3A_332 : memref<1x206x128xf32, #tpu.memory_space<hbm>> -> memref<206x128xf32, #tpu.memory_space<hbm>>
    tpu.enqueue_dma source(%arg5 : memref<206x128xf32, #tpu.memory_space<vmem>>) target(%dma_start3A_333 : memref<206x128xf32, #tpu.memory_space<hbm>>) target_semaphore(%arg6 : memref<!tpu.dma_semaphore, #tpu.memory_space<semaphore_mem>>)
    %add3A_334 = arith.constant 64 : i32
    %add3A_335 = arith.addi %add3A, %add3A_334 : i32
    %dma_start3A_336 = arith.constant 0 : i32
    %dma_start3A_337 = arith.constant 0 : i32
    %dma_start3A_338 = tpu.memref_slice %arg3[%add3A_335, %dma_start3A_336, %dma_start3A_337] : memref<1024x206x128xf32, #tpu.memory_space<hbm>> -> memref<1x206x128xf32, #tpu.memory_space<hbm>>
    %dma_start3A_339 = tpu.memref_squeeze %dma_start3A_338 : memref<1x206x128xf32, #tpu.memory_space<hbm>> -> memref<206x128xf32, #tpu.memory_space<hbm>>
    %dma_start3A_340 = arith.constant 0 : i32
    %dma_start3A_341 = arith.constant 0 : i32
    %dma_start3A_342 = tpu.memref_slice %arg3[%add3A_335, %dma_start3A_340, %dma_start3A_341] : memref<1024x206x128xf32, #tpu.memory_space<hbm>> -> memref<1x206x128xf32, #tpu.memory_space<hbm>>
    %dma_start3A_343 = tpu.memref_squeeze %dma_start3A_342 : memref<1x206x128xf32, #tpu.memory_space<hbm>> -> memref<206x128xf32, #tpu.memory_space<hbm>>
    tpu.enqueue_dma source(%arg5 : memref<206x128xf32, #tpu.memory_space<vmem>>) target(%dma_start3A_343 : memref<206x128xf32, #tpu.memory_space<hbm>>) target_semaphore(%arg6 : memref<!tpu.dma_semaphore, #tpu.memory_space<semaphore_mem>>)
    %add3A_344 = arith.constant 96 : i32
    %add3A_345 = arith.addi %add3A, %add3A_344 : i32
    %dma_start3A_346 = arith.constant 0 : i32
    %dma_start3A_347 = arith.constant 0 : i32
    %dma_start3A_348 = tpu.memref_slice %arg3[%add3A_345, %dma_start3A_346, %dma_start3A_347] : memref<1024x206x128xf32, #tpu.memory_space<hbm>> -> memref<1x206x128xf32, #tpu.memory_space<hbm>>
    %dma_start3A_349 = tpu.memref_squeeze %dma_start3A_348 : memref<1x206x128xf32, #tpu.memory_space<hbm>> -> memref<206x128xf32, #tpu.memory_space<hbm>>
    %dma_start3A_350 = arith.constant 0 : i32
    %dma_start3A_351 = arith.constant 0 : i32
    %dma_start3A_352 = tpu.memref_slice %arg3[%add3A_345, %dma_start3A_350, %dma_start3A_351] : memref<1024x206x128xf32, #tpu.memory_space<hbm>> -> memref<1x206x128xf32, #tpu.memory_space<hbm>>
    %dma_start3A_353 = tpu.memref_squeeze %dma_start3A_352 : memref<1x206x128xf32, #tpu.memory_space<hbm>> -> memref<206x128xf32, #tpu.memory_space<hbm>>
    tpu.enqueue_dma source(%arg5 : memref<206x128xf32, #tpu.memory_space<vmem>>) target(%dma_start3A_353 : memref<206x128xf32, #tpu.memory_space<hbm>>) target_semaphore(%arg6 : memref<!tpu.dma_semaphore, #tpu.memory_space<semaphore_mem>>)
    %add3A_354 = arith.constant 128 : i32
    %add3A_355 = arith.addi %add3A, %add3A_354 : i32
    %dma_start3A_356 = arith.constant 0 : i32
    %dma_start3A_357 = arith.constant 0 : i32
    %dma_start3A_358 = tpu.memref_slice %arg3[%add3A_355, %dma_start3A_356, %dma_start3A_357] : memref<1024x206x128xf32, #tpu.memory_space<hbm>> -> memref<1x206x128xf32, #tpu.memory_space<hbm>>
    %dma_start3A_359 = tpu.memref_squeeze %dma_start3A_358 : memref<1x206x128xf32, #tpu.memory_space<hbm>> -> memref<206x128xf32, #tpu.memory_space<hbm>>
    %dma_start3A_360 = arith.constant 0 : i32
    %dma_start3A_361 = arith.constant 0 : i32
    %dma_start3A_362 = tpu.memref_slice %arg3[%add3A_355, %dma_start3A_360, %dma_start3A_361] : memref<1024x206x128xf32, #tpu.memory_space<hbm>> -> memref<1x206x128xf32, #tpu.memory_space<hbm>>
    %dma_start3A_363 = tpu.memref_squeeze %dma_start3A_362 : memref<1x206x128xf32, #tpu.memory_space<hbm>> -> memref<206x128xf32, #tpu.memory_space<hbm>>
    tpu.enqueue_dma source(%arg5 : memref<206x128xf32, #tpu.memory_space<vmem>>) target(%dma_start3A_363 : memref<206x128xf32, #tpu.memory_space<hbm>>) target_semaphore(%arg6 : memref<!tpu.dma_semaphore, #tpu.memory_space<semaphore_mem>>)
    %add3A_364 = arith.constant 160 : i32
    %add3A_365 = arith.addi %add3A, %add3A_364 : i32
    %dma_start3A_366 = arith.constant 0 : i32
    %dma_start3A_367 = arith.constant 0 : i32
    %dma_start3A_368 = tpu.memref_slice %arg3[%add3A_365, %dma_start3A_366, %dma_start3A_367] : memref<1024x206x128xf32, #tpu.memory_space<hbm>> -> memref<1x206x128xf32, #tpu.memory_space<hbm>>
    %dma_start3A_369 = tpu.memref_squeeze %dma_start3A_368 : memref<1x206x128xf32, #tpu.memory_space<hbm>> -> memref<206x128xf32, #tpu.memory_space<hbm>>
    %dma_start3A_370 = arith.constant 0 : i32
    %dma_start3A_371 = arith.constant 0 : i32
    %dma_start3A_372 = tpu.memref_slice %arg3[%add3A_365, %dma_start3A_370, %dma_start3A_371] : memref<1024x206x128xf32, #tpu.memory_space<hbm>> -> memref<1x206x128xf32, #tpu.memory_space<hbm>>
    %dma_start3A_373 = tpu.memref_squeeze %dma_start3A_372 : memref<1x206x128xf32, #tpu.memory_space<hbm>> -> memref<206x128xf32, #tpu.memory_space<hbm>>
    tpu.enqueue_dma source(%arg5 : memref<206x128xf32, #tpu.memory_space<vmem>>) target(%dma_start3A_373 : memref<206x128xf32, #tpu.memory_space<hbm>>) target_semaphore(%arg6 : memref<!tpu.dma_semaphore, #tpu.memory_space<semaphore_mem>>)
    %add3A_374 = arith.constant 192 : i32
    %add3A_375 = arith.addi %add3A, %add3A_374 : i32
    %dma_start3A_376 = arith.constant 0 : i32
    %dma_start3A_377 = arith.constant 0 : i32
    %dma_start3A_378 = tpu.memref_slice %arg3[%add3A_375, %dma_start3A_376, %dma_start3A_377] : memref<1024x206x128xf32, #tpu.memory_space<hbm>> -> memref<1x206x128xf32, #tpu.memory_space<hbm>>
    %dma_start3A_379 = tpu.memref_squeeze %dma_start3A_378 : memref<1x206x128xf32, #tpu.memory_space<hbm>> -> memref<206x128xf32, #tpu.memory_space<hbm>>
    %dma_start3A_380 = arith.constant 0 : i32
    %dma_start3A_381 = arith.constant 0 : i32
    %dma_start3A_382 = tpu.memref_slice %arg3[%add3A_375, %dma_start3A_380, %dma_start3A_381] : memref<1024x206x128xf32, #tpu.memory_space<hbm>> -> memref<1x206x128xf32, #tpu.memory_space<hbm>>
    %dma_start3A_383 = tpu.memref_squeeze %dma_start3A_382 : memref<1x206x128xf32, #tpu.memory_space<hbm>> -> memref<206x128xf32, #tpu.memory_space<hbm>>
    tpu.enqueue_dma source(%arg5 : memref<206x128xf32, #tpu.memory_space<vmem>>) target(%dma_start3A_383 : memref<206x128xf32, #tpu.memory_space<hbm>>) target_semaphore(%arg6 : memref<!tpu.dma_semaphore, #tpu.memory_space<semaphore_mem>>)
    %add3A_384 = arith.constant 224 : i32
    %add3A_385 = arith.addi %add3A, %add3A_384 : i32
    %dma_start3A_386 = arith.constant 0 : i32
    %dma_start3A_387 = arith.constant 0 : i32
    %dma_start3A_388 = tpu.memref_slice %arg3[%add3A_385, %dma_start3A_386, %dma_start3A_387] : memref<1024x206x128xf32, #tpu.memory_space<hbm>> -> memref<1x206x128xf32, #tpu.memory_space<hbm>>
    %dma_start3A_389 = tpu.memref_squeeze %dma_start3A_388 : memref<1x206x128xf32, #tpu.memory_space<hbm>> -> memref<206x128xf32, #tpu.memory_space<hbm>>
    %dma_start3A_390 = arith.constant 0 : i32
    %dma_start3A_391 = arith.constant 0 : i32
    %dma_start3A_392 = tpu.memref_slice %arg3[%add3A_385, %dma_start3A_390, %dma_start3A_391] : memref<1024x206x128xf32, #tpu.memory_space<hbm>> -> memref<1x206x128xf32, #tpu.memory_space<hbm>>
    %dma_start3A_393 = tpu.memref_squeeze %dma_start3A_392 : memref<1x206x128xf32, #tpu.memory_space<hbm>> -> memref<206x128xf32, #tpu.memory_space<hbm>>
    tpu.enqueue_dma source(%arg5 : memref<206x128xf32, #tpu.memory_space<vmem>>) target(%dma_start3A_393 : memref<206x128xf32, #tpu.memory_space<hbm>>) target_semaphore(%arg6 : memref<!tpu.dma_semaphore, #tpu.memory_space<semaphore_mem>>)
    %add3A_394 = arith.constant 256 : i32
    %add3A_395 = arith.addi %add3A, %add3A_394 : i32
    %dma_start3A_396 = arith.constant 0 : i32
    %dma_start3A_397 = arith.constant 0 : i32
    %dma_start3A_398 = tpu.memref_slice %arg3[%add3A_395, %dma_start3A_396, %dma_start3A_397] : memref<1024x206x128xf32, #tpu.memory_space<hbm>> -> memref<1x206x128xf32, #tpu.memory_space<hbm>>
    %dma_start3A_399 = tpu.memref_squeeze %dma_start3A_398 : memref<1x206x128xf32, #tpu.memory_space<hbm>> -> memref<206x128xf32, #tpu.memory_space<hbm>>
    %dma_start3A_400 = arith.constant 0 : i32
    %dma_start3A_401 = arith.constant 0 : i32
    %dma_start3A_402 = tpu.memref_slice %arg3[%add3A_395, %dma_start3A_400, %dma_start3A_401] : memref<1024x206x128xf32, #tpu.memory_space<hbm>> -> memref<1x206x128xf32, #tpu.memory_space<hbm>>
    %dma_start3A_403 = tpu.memref_squeeze %dma_start3A_402 : memref<1x206x128xf32, #tpu.memory_space<hbm>> -> memref<206x128xf32, #tpu.memory_space<hbm>>
    tpu.enqueue_dma source(%arg5 : memref<206x128xf32, #tpu.memory_space<vmem>>) target(%dma_start3A_403 : memref<206x128xf32, #tpu.memory_space<hbm>>) target_semaphore(%arg6 : memref<!tpu.dma_semaphore, #tpu.memory_space<semaphore_mem>>)
    %add3A_404 = arith.constant 288 : i32
    %add3A_405 = arith.addi %add3A, %add3A_404 : i32
    %dma_start3A_406 = arith.constant 0 : i32
    %dma_start3A_407 = arith.constant 0 : i32
    %dma_start3A_408 = tpu.memref_slice %arg3[%add3A_405, %dma_start3A_406, %dma_start3A_407] : memref<1024x206x128xf32, #tpu.memory_space<hbm>> -> memref<1x206x128xf32, #tpu.memory_space<hbm>>
    %dma_start3A_409 = tpu.memref_squeeze %dma_start3A_408 : memref<1x206x128xf32, #tpu.memory_space<hbm>> -> memref<206x128xf32, #tpu.memory_space<hbm>>
    %dma_start3A_410 = arith.constant 0 : i32
    %dma_start3A_411 = arith.constant 0 : i32
    %dma_start3A_412 = tpu.memref_slice %arg3[%add3A_405, %dma_start3A_410, %dma_start3A_411] : memref<1024x206x128xf32, #tpu.memory_space<hbm>> -> memref<1x206x128xf32, #tpu.memory_space<hbm>>
    %dma_start3A_413 = tpu.memref_squeeze %dma_start3A_412 : memref<1x206x128xf32, #tpu.memory_space<hbm>> -> memref<206x128xf32, #tpu.memory_space<hbm>>
    tpu.enqueue_dma source(%arg5 : memref<206x128xf32, #tpu.memory_space<vmem>>) target(%dma_start3A_413 : memref<206x128xf32, #tpu.memory_space<hbm>>) target_semaphore(%arg6 : memref<!tpu.dma_semaphore, #tpu.memory_space<semaphore_mem>>)
    %add3A_414 = arith.constant 320 : i32
    %add3A_415 = arith.addi %add3A, %add3A_414 : i32
    %dma_start3A_416 = arith.constant 0 : i32
    %dma_start3A_417 = arith.constant 0 : i32
    %dma_start3A_418 = tpu.memref_slice %arg3[%add3A_415, %dma_start3A_416, %dma_start3A_417] : memref<1024x206x128xf32, #tpu.memory_space<hbm>> -> memref<1x206x128xf32, #tpu.memory_space<hbm>>
    %dma_start3A_419 = tpu.memref_squeeze %dma_start3A_418 : memref<1x206x128xf32, #tpu.memory_space<hbm>> -> memref<206x128xf32, #tpu.memory_space<hbm>>
    %dma_start3A_420 = arith.constant 0 : i32
    %dma_start3A_421 = arith.constant 0 : i32
    %dma_start3A_422 = tpu.memref_slice %arg3[%add3A_415, %dma_start3A_420, %dma_start3A_421] : memref<1024x206x128xf32, #tpu.memory_space<hbm>> -> memref<1x206x128xf32, #tpu.memory_space<hbm>>
    %dma_start3A_423 = tpu.memref_squeeze %dma_start3A_422 : memref<1x206x128xf32, #tpu.memory_space<hbm>> -> memref<206x128xf32, #tpu.memory_space<hbm>>
    tpu.enqueue_dma source(%arg5 : memref<206x128xf32, #tpu.memory_space<vmem>>) target(%dma_start3A_423 : memref<206x128xf32, #tpu.memory_space<hbm>>) target_semaphore(%arg6 : memref<!tpu.dma_semaphore, #tpu.memory_space<semaphore_mem>>)
    %add3A_424 = arith.constant 352 : i32
    %add3A_425 = arith.addi %add3A, %add3A_424 : i32
    %dma_start3A_426 = arith.constant 0 : i32
    %dma_start3A_427 = arith.constant 0 : i32
    %dma_start3A_428 = tpu.memref_slice %arg3[%add3A_425, %dma_start3A_426, %dma_start3A_427] : memref<1024x206x128xf32, #tpu.memory_space<hbm>> -> memref<1x206x128xf32, #tpu.memory_space<hbm>>
    %dma_start3A_429 = tpu.memref_squeeze %dma_start3A_428 : memref<1x206x128xf32, #tpu.memory_space<hbm>> -> memref<206x128xf32, #tpu.memory_space<hbm>>
    %dma_start3A_430 = arith.constant 0 : i32
    %dma_start3A_431 = arith.constant 0 : i32
    %dma_start3A_432 = tpu.memref_slice %arg3[%add3A_425, %dma_start3A_430, %dma_start3A_431] : memref<1024x206x128xf32, #tpu.memory_space<hbm>> -> memref<1x206x128xf32, #tpu.memory_space<hbm>>
    %dma_start3A_433 = tpu.memref_squeeze %dma_start3A_432 : memref<1x206x128xf32, #tpu.memory_space<hbm>> -> memref<206x128xf32, #tpu.memory_space<hbm>>
    tpu.enqueue_dma source(%arg5 : memref<206x128xf32, #tpu.memory_space<vmem>>) target(%dma_start3A_433 : memref<206x128xf32, #tpu.memory_space<hbm>>) target_semaphore(%arg6 : memref<!tpu.dma_semaphore, #tpu.memory_space<semaphore_mem>>)
    %add3A_434 = arith.constant 384 : i32
    %add3A_435 = arith.addi %add3A, %add3A_434 : i32
    %dma_start3A_436 = arith.constant 0 : i32
    %dma_start3A_437 = arith.constant 0 : i32
    %dma_start3A_438 = tpu.memref_slice %arg3[%add3A_435, %dma_start3A_436, %dma_start3A_437] : memref<1024x206x128xf32, #tpu.memory_space<hbm>> -> memref<1x206x128xf32, #tpu.memory_space<hbm>>
    %dma_start3A_439 = tpu.memref_squeeze %dma_start3A_438 : memref<1x206x128xf32, #tpu.memory_space<hbm>> -> memref<206x128xf32, #tpu.memory_space<hbm>>
    %dma_start3A_440 = arith.constant 0 : i32
    %dma_start3A_441 = arith.constant 0 : i32
    %dma_start3A_442 = tpu.memref_slice %arg3[%add3A_435, %dma_start3A_440, %dma_start3A_441] : memref<1024x206x128xf32, #tpu.memory_space<hbm>> -> memref<1x206x128xf32, #tpu.memory_space<hbm>>
    %dma_start3A_443 = tpu.memref_squeeze %dma_start3A_442 : memref<1x206x128xf32, #tpu.memory_space<hbm>> -> memref<206x128xf32, #tpu.memory_space<hbm>>
    tpu.enqueue_dma source(%arg5 : memref<206x128xf32, #tpu.memory_space<vmem>>) target(%dma_start3A_443 : memref<206x128xf32, #tpu.memory_space<hbm>>) target_semaphore(%arg6 : memref<!tpu.dma_semaphore, #tpu.memory_space<semaphore_mem>>)
    %add3A_444 = arith.constant 416 : i32
    %add3A_445 = arith.addi %add3A, %add3A_444 : i32
    %dma_start3A_446 = arith.constant 0 : i32
    %dma_start3A_447 = arith.constant 0 : i32
    %dma_start3A_448 = tpu.memref_slice %arg3[%add3A_445, %dma_start3A_446, %dma_start3A_447] : memref<1024x206x128xf32, #tpu.memory_space<hbm>> -> memref<1x206x128xf32, #tpu.memory_space<hbm>>
    %dma_start3A_449 = tpu.memref_squeeze %dma_start3A_448 : memref<1x206x128xf32, #tpu.memory_space<hbm>> -> memref<206x128xf32, #tpu.memory_space<hbm>>
    %dma_start3A_450 = arith.constant 0 : i32
    %dma_start3A_451 = arith.constant 0 : i32
    %dma_start3A_452 = tpu.memref_slice %arg3[%add3A_445, %dma_start3A_450, %dma_start3A_451] : memref<1024x206x128xf32, #tpu.memory_space<hbm>> -> memref<1x206x128xf32, #tpu.memory_space<hbm>>
    %dma_start3A_453 = tpu.memref_squeeze %dma_start3A_452 : memref<1x206x128xf32, #tpu.memory_space<hbm>> -> memref<206x128xf32, #tpu.memory_space<hbm>>
    tpu.enqueue_dma source(%arg5 : memref<206x128xf32, #tpu.memory_space<vmem>>) target(%dma_start3A_453 : memref<206x128xf32, #tpu.memory_space<hbm>>) target_semaphore(%arg6 : memref<!tpu.dma_semaphore, #tpu.memory_space<semaphore_mem>>)
    %add3A_454 = arith.constant 448 : i32
    %add3A_455 = arith.addi %add3A, %add3A_454 : i32
    %dma_start3A_456 = arith.constant 0 : i32
    %dma_start3A_457 = arith.constant 0 : i32
    %dma_start3A_458 = tpu.memref_slice %arg3[%add3A_455, %dma_start3A_456, %dma_start3A_457] : memref<1024x206x128xf32, #tpu.memory_space<hbm>> -> memref<1x206x128xf32, #tpu.memory_space<hbm>>
    %dma_start3A_459 = tpu.memref_squeeze %dma_start3A_458 : memref<1x206x128xf32, #tpu.memory_space<hbm>> -> memref<206x128xf32, #tpu.memory_space<hbm>>
    %dma_start3A_460 = arith.constant 0 : i32
    %dma_start3A_461 = arith.constant 0 : i32
    %dma_start3A_462 = tpu.memref_slice %arg3[%add3A_455, %dma_start3A_460, %dma_start3A_461] : memref<1024x206x128xf32, #tpu.memory_space<hbm>> -> memref<1x206x128xf32, #tpu.memory_space<hbm>>
    %dma_start3A_463 = tpu.memref_squeeze %dma_start3A_462 : memref<1x206x128xf32, #tpu.memory_space<hbm>> -> memref<206x128xf32, #tpu.memory_space<hbm>>
    tpu.enqueue_dma source(%arg5 : memref<206x128xf32, #tpu.memory_space<vmem>>) target(%dma_start3A_463 : memref<206x128xf32, #tpu.memory_space<hbm>>) target_semaphore(%arg6 : memref<!tpu.dma_semaphore, #tpu.memory_space<semaphore_mem>>)
    %add3A_464 = arith.constant 480 : i32
    %add3A_465 = arith.addi %add3A, %add3A_464 : i32
    %dma_start3A_466 = arith.constant 0 : i32
    %dma_start3A_467 = arith.constant 0 : i32
    %dma_start3A_468 = tpu.memref_slice %arg3[%add3A_465, %dma_start3A_466, %dma_start3A_467] : memref<1024x206x128xf32, #tpu.memory_space<hbm>> -> memref<1x206x128xf32, #tpu.memory_space<hbm>>
    %dma_start3A_469 = tpu.memref_squeeze %dma_start3A_468 : memref<1x206x128xf32, #tpu.memory_space<hbm>> -> memref<206x128xf32, #tpu.memory_space<hbm>>
    %dma_start3A_470 = arith.constant 0 : i32
    %dma_start3A_471 = arith.constant 0 : i32
    %dma_start3A_472 = tpu.memref_slice %arg3[%add3A_465, %dma_start3A_470, %dma_start3A_471] : memref<1024x206x128xf32, #tpu.memory_space<hbm>> -> memref<1x206x128xf32, #tpu.memory_space<hbm>>
    %dma_start3A_473 = tpu.memref_squeeze %dma_start3A_472 : memref<1x206x128xf32, #tpu.memory_space<hbm>> -> memref<206x128xf32, #tpu.memory_space<hbm>>
    tpu.enqueue_dma source(%arg5 : memref<206x128xf32, #tpu.memory_space<vmem>>) target(%dma_start3A_473 : memref<206x128xf32, #tpu.memory_space<hbm>>) target_semaphore(%arg6 : memref<!tpu.dma_semaphore, #tpu.memory_space<semaphore_mem>>)
    %add3A_474 = arith.constant 512 : i32
    %add3A_475 = arith.addi %add3A, %add3A_474 : i32
    %dma_start3A_476 = arith.constant 0 : i32
    %dma_start3A_477 = arith.constant 0 : i32
    %dma_start3A_478 = tpu.memref_slice %arg3[%add3A_475, %dma_start3A_476, %dma_start3A_477] : memref<1024x206x128xf32, #tpu.memory_space<hbm>> -> memref<1x206x128xf32, #tpu.memory_space<hbm>>
    %dma_start3A_479 = tpu.memref_squeeze %dma_start3A_478 : memref<1x206x128xf32, #tpu.memory_space<hbm>> -> memref<206x128xf32, #tpu.memory_space<hbm>>
    %dma_start3A_480 = arith.constant 0 : i32
    %dma_start3A_481 = arith.constant 0 : i32
    %dma_start3A_482 = tpu.memref_slice %arg3[%add3A_475, %dma_start3A_480, %dma_start3A_481] : memref<1024x206x128xf32, #tpu.memory_space<hbm>> -> memref<1x206x128xf32, #tpu.memory_space<hbm>>
    %dma_start3A_483 = tpu.memref_squeeze %dma_start3A_482 : memref<1x206x128xf32, #tpu.memory_space<hbm>> -> memref<206x128xf32, #tpu.memory_space<hbm>>
    tpu.enqueue_dma source(%arg5 : memref<206x128xf32, #tpu.memory_space<vmem>>) target(%dma_start3A_483 : memref<206x128xf32, #tpu.memory_space<hbm>>) target_semaphore(%arg6 : memref<!tpu.dma_semaphore, #tpu.memory_space<semaphore_mem>>)
    %add3A_484 = arith.constant 544 : i32
    %add3A_485 = arith.addi %add3A, %add3A_484 : i32
    %dma_start3A_486 = arith.constant 0 : i32
    %dma_start3A_487 = arith.constant 0 : i32
    %dma_start3A_488 = tpu.memref_slice %arg3[%add3A_485, %dma_start3A_486, %dma_start3A_487] : memref<1024x206x128xf32, #tpu.memory_space<hbm>> -> memref<1x206x128xf32, #tpu.memory_space<hbm>>
    %dma_start3A_489 = tpu.memref_squeeze %dma_start3A_488 : memref<1x206x128xf32, #tpu.memory_space<hbm>> -> memref<206x128xf32, #tpu.memory_space<hbm>>
    %dma_start3A_490 = arith.constant 0 : i32
    %dma_start3A_491 = arith.constant 0 : i32
    %dma_start3A_492 = tpu.memref_slice %arg3[%add3A_485, %dma_start3A_490, %dma_start3A_491] : memref<1024x206x128xf32, #tpu.memory_space<hbm>> -> memref<1x206x128xf32, #tpu.memory_space<hbm>>
    %dma_start3A_493 = tpu.memref_squeeze %dma_start3A_492 : memref<1x206x128xf32, #tpu.memory_space<hbm>> -> memref<206x128xf32, #tpu.memory_space<hbm>>
    tpu.enqueue_dma source(%arg5 : memref<206x128xf32, #tpu.memory_space<vmem>>) target(%dma_start3A_493 : memref<206x128xf32, #tpu.memory_space<hbm>>) target_semaphore(%arg6 : memref<!tpu.dma_semaphore, #tpu.memory_space<semaphore_mem>>)
    %add3A_494 = arith.constant 576 : i32
    %add3A_495 = arith.addi %add3A, %add3A_494 : i32
    %dma_start3A_496 = arith.constant 0 : i32
    %dma_start3A_497 = arith.constant 0 : i32
    %dma_start3A_498 = tpu.memref_slice %arg3[%add3A_495, %dma_start3A_496, %dma_start3A_497] : memref<1024x206x128xf32, #tpu.memory_space<hbm>> -> memref<1x206x128xf32, #tpu.memory_space<hbm>>
    %dma_start3A_499 = tpu.memref_squeeze %dma_start3A_498 : memref<1x206x128xf32, #tpu.memory_space<hbm>> -> memref<206x128xf32, #tpu.memory_space<hbm>>
    %dma_start3A_500 = arith.constant 0 : i32
    %dma_start3A_501 = arith.constant 0 : i32
    %dma_start3A_502 = tpu.memref_slice %arg3[%add3A_495, %dma_start3A_500, %dma_start3A_501] : memref<1024x206x128xf32, #tpu.memory_space<hbm>> -> memref<1x206x128xf32, #tpu.memory_space<hbm>>
    %dma_start3A_503 = tpu.memref_squeeze %dma_start3A_502 : memref<1x206x128xf32, #tpu.memory_space<hbm>> -> memref<206x128xf32, #tpu.memory_space<hbm>>
    tpu.enqueue_dma source(%arg5 : memref<206x128xf32, #tpu.memory_space<vmem>>) target(%dma_start3A_503 : memref<206x128xf32, #tpu.memory_space<hbm>>) target_semaphore(%arg6 : memref<!tpu.dma_semaphore, #tpu.memory_space<semaphore_mem>>)
    %add3A_504 = arith.constant 608 : i32
    %add3A_505 = arith.addi %add3A, %add3A_504 : i32
    %dma_start3A_506 = arith.constant 0 : i32
    %dma_start3A_507 = arith.constant 0 : i32
    %dma_start3A_508 = tpu.memref_slice %arg3[%add3A_505, %dma_start3A_506, %dma_start3A_507] : memref<1024x206x128xf32, #tpu.memory_space<hbm>> -> memref<1x206x128xf32, #tpu.memory_space<hbm>>
    %dma_start3A_509 = tpu.memref_squeeze %dma_start3A_508 : memref<1x206x128xf32, #tpu.memory_space<hbm>> -> memref<206x128xf32, #tpu.memory_space<hbm>>
    %dma_start3A_510 = arith.constant 0 : i32
    %dma_start3A_511 = arith.constant 0 : i32
    %dma_start3A_512 = tpu.memref_slice %arg3[%add3A_505, %dma_start3A_510, %dma_start3A_511] : memref<1024x206x128xf32, #tpu.memory_space<hbm>> -> memref<1x206x128xf32, #tpu.memory_space<hbm>>
    %dma_start3A_513 = tpu.memref_squeeze %dma_start3A_512 : memref<1x206x128xf32, #tpu.memory_space<hbm>> -> memref<206x128xf32, #tpu.memory_space<hbm>>
    tpu.enqueue_dma source(%arg5 : memref<206x128xf32, #tpu.memory_space<vmem>>) target(%dma_start3A_513 : memref<206x128xf32, #tpu.memory_space<hbm>>) target_semaphore(%arg6 : memref<!tpu.dma_semaphore, #tpu.memory_space<semaphore_mem>>)
    %add3A_514 = arith.constant 640 : i32
    %add3A_515 = arith.addi %add3A, %add3A_514 : i32
    %dma_start3A_516 = arith.constant 0 : i32
    %dma_start3A_517 = arith.constant 0 : i32
    %dma_start3A_518 = tpu.memref_slice %arg3[%add3A_515, %dma_start3A_516, %dma_start3A_517] : memref<1024x206x128xf32, #tpu.memory_space<hbm>> -> memref<1x206x128xf32, #tpu.memory_space<hbm>>
    %dma_start3A_519 = tpu.memref_squeeze %dma_start3A_518 : memref<1x206x128xf32, #tpu.memory_space<hbm>> -> memref<206x128xf32, #tpu.memory_space<hbm>>
    %dma_start3A_520 = arith.constant 0 : i32
    %dma_start3A_521 = arith.constant 0 : i32
    %dma_start3A_522 = tpu.memref_slice %arg3[%add3A_515, %dma_start3A_520, %dma_start3A_521] : memref<1024x206x128xf32, #tpu.memory_space<hbm>> -> memref<1x206x128xf32, #tpu.memory_space<hbm>>
    %dma_start3A_523 = tpu.memref_squeeze %dma_start3A_522 : memref<1x206x128xf32, #tpu.memory_space<hbm>> -> memref<206x128xf32, #tpu.memory_space<hbm>>
    tpu.enqueue_dma source(%arg5 : memref<206x128xf32, #tpu.memory_space<vmem>>) target(%dma_start3A_523 : memref<206x128xf32, #tpu.memory_space<hbm>>) target_semaphore(%arg6 : memref<!tpu.dma_semaphore, #tpu.memory_space<semaphore_mem>>)
    %add3A_524 = arith.constant 672 : i32
    %add3A_525 = arith.addi %add3A, %add3A_524 : i32
    %dma_start3A_526 = arith.constant 0 : i32
    %dma_start3A_527 = arith.constant 0 : i32
    %dma_start3A_528 = tpu.memref_slice %arg3[%add3A_525, %dma_start3A_526, %dma_start3A_527] : memref<1024x206x128xf32, #tpu.memory_space<hbm>> -> memref<1x206x128xf32, #tpu.memory_space<hbm>>
    %dma_start3A_529 = tpu.memref_squeeze %dma_start3A_528 : memref<1x206x128xf32, #tpu.memory_space<hbm>> -> memref<206x128xf32, #tpu.memory_space<hbm>>
    %dma_start3A_530 = arith.constant 0 : i32
    %dma_start3A_531 = arith.constant 0 : i32
    %dma_start3A_532 = tpu.memref_slice %arg3[%add3A_525, %dma_start3A_530, %dma_start3A_531] : memref<1024x206x128xf32, #tpu.memory_space<hbm>> -> memref<1x206x128xf32, #tpu.memory_space<hbm>>
    %dma_start3A_533 = tpu.memref_squeeze %dma_start3A_532 : memref<1x206x128xf32, #tpu.memory_space<hbm>> -> memref<206x128xf32, #tpu.memory_space<hbm>>
    tpu.enqueue_dma source(%arg5 : memref<206x128xf32, #tpu.memory_space<vmem>>) target(%dma_start3A_533 : memref<206x128xf32, #tpu.memory_space<hbm>>) target_semaphore(%arg6 : memref<!tpu.dma_semaphore, #tpu.memory_space<semaphore_mem>>)
    %add3A_534 = arith.constant 704 : i32
    %add3A_535 = arith.addi %add3A, %add3A_534 : i32
    %dma_start3A_536 = arith.constant 0 : i32
    %dma_start3A_537 = arith.constant 0 : i32
    %dma_start3A_538 = tpu.memref_slice %arg3[%add3A_535, %dma_start3A_536, %dma_start3A_537] : memref<1024x206x128xf32, #tpu.memory_space<hbm>> -> memref<1x206x128xf32, #tpu.memory_space<hbm>>
    %dma_start3A_539 = tpu.memref_squeeze %dma_start3A_538 : memref<1x206x128xf32, #tpu.memory_space<hbm>> -> memref<206x128xf32, #tpu.memory_space<hbm>>
    %dma_start3A_540 = arith.constant 0 : i32
    %dma_start3A_541 = arith.constant 0 : i32
    %dma_start3A_542 = tpu.memref_slice %arg3[%add3A_535, %dma_start3A_540, %dma_start3A_541] : memref<1024x206x128xf32, #tpu.memory_space<hbm>> -> memref<1x206x128xf32, #tpu.memory_space<hbm>>
    %dma_start3A_543 = tpu.memref_squeeze %dma_start3A_542 : memref<1x206x128xf32, #tpu.memory_space<hbm>> -> memref<206x128xf32, #tpu.memory_space<hbm>>
    tpu.enqueue_dma source(%arg5 : memref<206x128xf32, #tpu.memory_space<vmem>>) target(%dma_start3A_543 : memref<206x128xf32, #tpu.memory_space<hbm>>) target_semaphore(%arg6 : memref<!tpu.dma_semaphore, #tpu.memory_space<semaphore_mem>>)
    %add3A_544 = arith.constant 736 : i32
    %add3A_545 = arith.addi %add3A, %add3A_544 : i32
    %dma_start3A_546 = arith.constant 0 : i32
    %dma_start3A_547 = arith.constant 0 : i32
    %dma_start3A_548 = tpu.memref_slice %arg3[%add3A_545, %dma_start3A_546, %dma_start3A_547] : memref<1024x206x128xf32, #tpu.memory_space<hbm>> -> memref<1x206x128xf32, #tpu.memory_space<hbm>>
    %dma_start3A_549 = tpu.memref_squeeze %dma_start3A_548 : memref<1x206x128xf32, #tpu.memory_space<hbm>> -> memref<206x128xf32, #tpu.memory_space<hbm>>
    %dma_start3A_550 = arith.constant 0 : i32
    %dma_start3A_551 = arith.constant 0 : i32
    %dma_start3A_552 = tpu.memref_slice %arg3[%add3A_545, %dma_start3A_550, %dma_start3A_551] : memref<1024x206x128xf32, #tpu.memory_space<hbm>> -> memref<1x206x128xf32, #tpu.memory_space<hbm>>
    %dma_start3A_553 = tpu.memref_squeeze %dma_start3A_552 : memref<1x206x128xf32, #tpu.memory_space<hbm>> -> memref<206x128xf32, #tpu.memory_space<hbm>>
    tpu.enqueue_dma source(%arg5 : memref<206x128xf32, #tpu.memory_space<vmem>>) target(%dma_start3A_553 : memref<206x128xf32, #tpu.memory_space<hbm>>) target_semaphore(%arg6 : memref<!tpu.dma_semaphore, #tpu.memory_space<semaphore_mem>>)
    %add3A_554 = arith.constant 768 : i32
    %add3A_555 = arith.addi %add3A, %add3A_554 : i32
    %dma_start3A_556 = arith.constant 0 : i32
    %dma_start3A_557 = arith.constant 0 : i32
    %dma_start3A_558 = tpu.memref_slice %arg3[%add3A_555, %dma_start3A_556, %dma_start3A_557] : memref<1024x206x128xf32, #tpu.memory_space<hbm>> -> memref<1x206x128xf32, #tpu.memory_space<hbm>>
    %dma_start3A_559 = tpu.memref_squeeze %dma_start3A_558 : memref<1x206x128xf32, #tpu.memory_space<hbm>> -> memref<206x128xf32, #tpu.memory_space<hbm>>
    %dma_start3A_560 = arith.constant 0 : i32
    %dma_start3A_561 = arith.constant 0 : i32
    %dma_start3A_562 = tpu.memref_slice %arg3[%add3A_555, %dma_start3A_560, %dma_start3A_561] : memref<1024x206x128xf32, #tpu.memory_space<hbm>> -> memref<1x206x128xf32, #tpu.memory_space<hbm>>
    %dma_start3A_563 = tpu.memref_squeeze %dma_start3A_562 : memref<1x206x128xf32, #tpu.memory_space<hbm>> -> memref<206x128xf32, #tpu.memory_space<hbm>>
    tpu.enqueue_dma source(%arg5 : memref<206x128xf32, #tpu.memory_space<vmem>>) target(%dma_start3A_563 : memref<206x128xf32, #tpu.memory_space<hbm>>) target_semaphore(%arg6 : memref<!tpu.dma_semaphore, #tpu.memory_space<semaphore_mem>>)
    %add3A_564 = arith.constant 800 : i32
    %add3A_565 = arith.addi %add3A, %add3A_564 : i32
    %dma_start3A_566 = arith.constant 0 : i32
    %dma_start3A_567 = arith.constant 0 : i32
    %dma_start3A_568 = tpu.memref_slice %arg3[%add3A_565, %dma_start3A_566, %dma_start3A_567] : memref<1024x206x128xf32, #tpu.memory_space<hbm>> -> memref<1x206x128xf32, #tpu.memory_space<hbm>>
    %dma_start3A_569 = tpu.memref_squeeze %dma_start3A_568 : memref<1x206x128xf32, #tpu.memory_space<hbm>> -> memref<206x128xf32, #tpu.memory_space<hbm>>
    %dma_start3A_570 = arith.constant 0 : i32
    %dma_start3A_571 = arith.constant 0 : i32
    %dma_start3A_572 = tpu.memref_slice %arg3[%add3A_565, %dma_start3A_570, %dma_start3A_571] : memref<1024x206x128xf32, #tpu.memory_space<hbm>> -> memref<1x206x128xf32, #tpu.memory_space<hbm>>
    %dma_start3A_573 = tpu.memref_squeeze %dma_start3A_572 : memref<1x206x128xf32, #tpu.memory_space<hbm>> -> memref<206x128xf32, #tpu.memory_space<hbm>>
    tpu.enqueue_dma source(%arg5 : memref<206x128xf32, #tpu.memory_space<vmem>>) target(%dma_start3A_573 : memref<206x128xf32, #tpu.memory_space<hbm>>) target_semaphore(%arg6 : memref<!tpu.dma_semaphore, #tpu.memory_space<semaphore_mem>>)
    %add3A_574 = arith.constant 832 : i32
    %add3A_575 = arith.addi %add3A, %add3A_574 : i32
    %dma_start3A_576 = arith.constant 0 : i32
    %dma_start3A_577 = arith.constant 0 : i32
    %dma_start3A_578 = tpu.memref_slice %arg3[%add3A_575, %dma_start3A_576, %dma_start3A_577] : memref<1024x206x128xf32, #tpu.memory_space<hbm>> -> memref<1x206x128xf32, #tpu.memory_space<hbm>>
    %dma_start3A_579 = tpu.memref_squeeze %dma_start3A_578 : memref<1x206x128xf32, #tpu.memory_space<hbm>> -> memref<206x128xf32, #tpu.memory_space<hbm>>
    %dma_start3A_580 = arith.constant 0 : i32
    %dma_start3A_581 = arith.constant 0 : i32
    %dma_start3A_582 = tpu.memref_slice %arg3[%add3A_575, %dma_start3A_580, %dma_start3A_581] : memref<1024x206x128xf32, #tpu.memory_space<hbm>> -> memref<1x206x128xf32, #tpu.memory_space<hbm>>
    %dma_start3A_583 = tpu.memref_squeeze %dma_start3A_582 : memref<1x206x128xf32, #tpu.memory_space<hbm>> -> memref<206x128xf32, #tpu.memory_space<hbm>>
    tpu.enqueue_dma source(%arg5 : memref<206x128xf32, #tpu.memory_space<vmem>>) target(%dma_start3A_583 : memref<206x128xf32, #tpu.memory_space<hbm>>) target_semaphore(%arg6 : memref<!tpu.dma_semaphore, #tpu.memory_space<semaphore_mem>>)
    %add3A_584 = arith.constant 864 : i32
    %add3A_585 = arith.addi %add3A, %add3A_584 : i32
    %dma_start3A_586 = arith.constant 0 : i32
    %dma_start3A_587 = arith.constant 0 : i32
    %dma_start3A_588 = tpu.memref_slice %arg3[%add3A_585, %dma_start3A_586, %dma_start3A_587] : memref<1024x206x128xf32, #tpu.memory_space<hbm>> -> memref<1x206x128xf32, #tpu.memory_space<hbm>>
    %dma_start3A_589 = tpu.memref_squeeze %dma_start3A_588 : memref<1x206x128xf32, #tpu.memory_space<hbm>> -> memref<206x128xf32, #tpu.memory_space<hbm>>
    %dma_start3A_590 = arith.constant 0 : i32
    %dma_start3A_591 = arith.constant 0 : i32
    %dma_start3A_592 = tpu.memref_slice %arg3[%add3A_585, %dma_start3A_590, %dma_start3A_591] : memref<1024x206x128xf32, #tpu.memory_space<hbm>> -> memref<1x206x128xf32, #tpu.memory_space<hbm>>
    %dma_start3A_593 = tpu.memref_squeeze %dma_start3A_592 : memref<1x206x128xf32, #tpu.memory_space<hbm>> -> memref<206x128xf32, #tpu.memory_space<hbm>>
    tpu.enqueue_dma source(%arg5 : memref<206x128xf32, #tpu.memory_space<vmem>>) target(%dma_start3A_593 : memref<206x128xf32, #tpu.memory_space<hbm>>) target_semaphore(%arg6 : memref<!tpu.dma_semaphore, #tpu.memory_space<semaphore_mem>>)
    %add3A_594 = arith.constant 896 : i32
    %add3A_595 = arith.addi %add3A, %add3A_594 : i32
    %dma_start3A_596 = arith.constant 0 : i32
    %dma_start3A_597 = arith.constant 0 : i32
    %dma_start3A_598 = tpu.memref_slice %arg3[%add3A_595, %dma_start3A_596, %dma_start3A_597] : memref<1024x206x128xf32, #tpu.memory_space<hbm>> -> memref<1x206x128xf32, #tpu.memory_space<hbm>>
    %dma_start3A_599 = tpu.memref_squeeze %dma_start3A_598 : memref<1x206x128xf32, #tpu.memory_space<hbm>> -> memref<206x128xf32, #tpu.memory_space<hbm>>
    %dma_start3A_600 = arith.constant 0 : i32
    %dma_start3A_601 = arith.constant 0 : i32
    %dma_start3A_602 = tpu.memref_slice %arg3[%add3A_595, %dma_start3A_600, %dma_start3A_601] : memref<1024x206x128xf32, #tpu.memory_space<hbm>> -> memref<1x206x128xf32, #tpu.memory_space<hbm>>
    %dma_start3A_603 = tpu.memref_squeeze %dma_start3A_602 : memref<1x206x128xf32, #tpu.memory_space<hbm>> -> memref<206x128xf32, #tpu.memory_space<hbm>>
    tpu.enqueue_dma source(%arg5 : memref<206x128xf32, #tpu.memory_space<vmem>>) target(%dma_start3A_603 : memref<206x128xf32, #tpu.memory_space<hbm>>) target_semaphore(%arg6 : memref<!tpu.dma_semaphore, #tpu.memory_space<semaphore_mem>>)
    %add3A_604 = arith.constant 928 : i32
    %add3A_605 = arith.addi %add3A, %add3A_604 : i32
    %dma_start3A_606 = arith.constant 0 : i32
    %dma_start3A_607 = arith.constant 0 : i32
    %dma_start3A_608 = tpu.memref_slice %arg3[%add3A_605, %dma_start3A_606, %dma_start3A_607] : memref<1024x206x128xf32, #tpu.memory_space<hbm>> -> memref<1x206x128xf32, #tpu.memory_space<hbm>>
    %dma_start3A_609 = tpu.memref_squeeze %dma_start3A_608 : memref<1x206x128xf32, #tpu.memory_space<hbm>> -> memref<206x128xf32, #tpu.memory_space<hbm>>
    %dma_start3A_610 = arith.constant 0 : i32
    %dma_start3A_611 = arith.constant 0 : i32
    %dma_start3A_612 = tpu.memref_slice %arg3[%add3A_605, %dma_start3A_610, %dma_start3A_611] : memref<1024x206x128xf32, #tpu.memory_space<hbm>> -> memref<1x206x128xf32, #tpu.memory_space<hbm>>
    %dma_start3A_613 = tpu.memref_squeeze %dma_start3A_612 : memref<1x206x128xf32, #tpu.memory_space<hbm>> -> memref<206x128xf32, #tpu.memory_space<hbm>>
    tpu.enqueue_dma source(%arg5 : memref<206x128xf32, #tpu.memory_space<vmem>>) target(%dma_start3A_613 : memref<206x128xf32, #tpu.memory_space<hbm>>) target_semaphore(%arg6 : memref<!tpu.dma_semaphore, #tpu.memory_space<semaphore_mem>>)
    %add3A_614 = arith.constant 960 : i32
    %add3A_615 = arith.addi %add3A, %add3A_614 : i32
    %dma_start3A_616 = arith.constant 0 : i32
    %dma_start3A_617 = arith.constant 0 : i32
    %dma_start3A_618 = tpu.memref_slice %arg3[%add3A_615, %dma_start3A_616, %dma_start3A_617] : memref<1024x206x128xf32, #tpu.memory_space<hbm>> -> memref<1x206x128xf32, #tpu.memory_space<hbm>>
    %dma_start3A_619 = tpu.memref_squeeze %dma_start3A_618 : memref<1x206x128xf32, #tpu.memory_space<hbm>> -> memref<206x128xf32, #tpu.memory_space<hbm>>
    %dma_start3A_620 = arith.constant 0 : i32
    %dma_start3A_621 = arith.constant 0 : i32
    %dma_start3A_622 = tpu.memref_slice %arg3[%add3A_615, %dma_start3A_620, %dma_start3A_621] : memref<1024x206x128xf32, #tpu.memory_space<hbm>> -> memref<1x206x128xf32, #tpu.memory_space<hbm>>
    %dma_start3A_623 = tpu.memref_squeeze %dma_start3A_622 : memref<1x206x128xf32, #tpu.memory_space<hbm>> -> memref<206x128xf32, #tpu.memory_space<hbm>>
    tpu.enqueue_dma source(%arg5 : memref<206x128xf32, #tpu.memory_space<vmem>>) target(%dma_start3A_623 : memref<206x128xf32, #tpu.memory_space<hbm>>) target_semaphore(%arg6 : memref<!tpu.dma_semaphore, #tpu.memory_space<semaphore_mem>>)
    %add3A_624 = arith.constant 992 : i32
    %add3A_625 = arith.addi %add3A, %add3A_624 : i32
    %dma_start3A_626 = arith.constant 0 : i32
    %dma_start3A_627 = arith.constant 0 : i32
    %dma_start3A_628 = tpu.memref_slice %arg3[%add3A_625, %dma_start3A_626, %dma_start3A_627] : memref<1024x206x128xf32, #tpu.memory_space<hbm>> -> memref<1x206x128xf32, #tpu.memory_space<hbm>>
    %dma_start3A_629 = tpu.memref_squeeze %dma_start3A_628 : memref<1x206x128xf32, #tpu.memory_space<hbm>> -> memref<206x128xf32, #tpu.memory_space<hbm>>
    %dma_start3A_630 = arith.constant 0 : i32
    %dma_start3A_631 = arith.constant 0 : i32
    %dma_start3A_632 = tpu.memref_slice %arg3[%add3A_625, %dma_start3A_630, %dma_start3A_631] : memref<1024x206x128xf32, #tpu.memory_space<hbm>> -> memref<1x206x128xf32, #tpu.memory_space<hbm>>
    %dma_start3A_633 = tpu.memref_squeeze %dma_start3A_632 : memref<1x206x128xf32, #tpu.memory_space<hbm>> -> memref<206x128xf32, #tpu.memory_space<hbm>>
    tpu.enqueue_dma source(%arg5 : memref<206x128xf32, #tpu.memory_space<vmem>>) target(%dma_start3A_633 : memref<206x128xf32, #tpu.memory_space<hbm>>) target_semaphore(%arg6 : memref<!tpu.dma_semaphore, #tpu.memory_space<semaphore_mem>>)
    %dma_wait3A = arith.constant 0 : i32
    %dma_wait3A_634 = arith.constant 0 : i32
    %dma_wait3A_635 = tpu.memref_slice %arg3[%add3A_316, %dma_wait3A, %dma_wait3A_634] : memref<1024x206x128xf32, #tpu.memory_space<hbm>> -> memref<1x206x128xf32, #tpu.memory_space<hbm>>
    %dma_wait3A_636 = tpu.memref_squeeze %dma_wait3A_635 : memref<1x206x128xf32, #tpu.memory_space<hbm>> -> memref<206x128xf32, #tpu.memory_space<hbm>>
    %dma_wait3A_637 = arith.constant 0 : i32
    %dma_wait3A_638 = arith.constant 0 : i32
    %dma_wait3A_639 = tpu.memref_slice %arg3[%add3A_316, %dma_wait3A_637, %dma_wait3A_638] : memref<1024x206x128xf32, #tpu.memory_space<hbm>> -> memref<1x206x128xf32, #tpu.memory_space<hbm>>
    %dma_wait3A_640 = tpu.memref_squeeze %dma_wait3A_639 : memref<1x206x128xf32, #tpu.memory_space<hbm>> -> memref<206x128xf32, #tpu.memory_space<hbm>>
    tpu.wait_dma2 semaphore(%arg6 : memref<!tpu.dma_semaphore, #tpu.memory_space<semaphore_mem>>) src(%arg5 : memref<206x128xf32, #tpu.memory_space<vmem>>) dst(%dma_wait3A_640 : memref<206x128xf32, #tpu.memory_space<hbm>>)
    %dma_wait3A_641 = arith.constant 0 : i32
    %dma_wait3A_642 = arith.constant 0 : i32
    %dma_wait3A_643 = tpu.memref_slice %arg3[%add3A_325, %dma_wait3A_641, %dma_wait3A_642] : memref<1024x206x128xf32, #tpu.memory_space<hbm>> -> memref<1x206x128xf32, #tpu.memory_space<hbm>>
    %dma_wait3A_644 = tpu.memref_squeeze %dma_wait3A_643 : memref<1x206x128xf32, #tpu.memory_space<hbm>> -> memref<206x128xf32, #tpu.memory_space<hbm>>
    %dma_wait3A_645 = arith.constant 0 : i32
    %dma_wait3A_646 = arith.constant 0 : i32
    %dma_wait3A_647 = tpu.memref_slice %arg3[%add3A_325, %dma_wait3A_645, %dma_wait3A_646] : memref<1024x206x128xf32, #tpu.memory_space<hbm>> -> memref<1x206x128xf32, #tpu.memory_space<hbm>>
    %dma_wait3A_648 = tpu.memref_squeeze %dma_wait3A_647 : memref<1x206x128xf32, #tpu.memory_space<hbm>> -> memref<206x128xf32, #tpu.memory_space<hbm>>
    tpu.wait_dma2 semaphore(%arg6 : memref<!tpu.dma_semaphore, #tpu.memory_space<semaphore_mem>>) src(%arg5 : memref<206x128xf32, #tpu.memory_space<vmem>>) dst(%dma_wait3A_648 : memref<206x128xf32, #tpu.memory_space<hbm>>)
    %dma_wait3A_649 = arith.constant 0 : i32
    %dma_wait3A_650 = arith.constant 0 : i32
    %dma_wait3A_651 = tpu.memref_slice %arg3[%add3A_335, %dma_wait3A_649, %dma_wait3A_650] : memref<1024x206x128xf32, #tpu.memory_space<hbm>> -> memref<1x206x128xf32, #tpu.memory_space<hbm>>
    %dma_wait3A_652 = tpu.memref_squeeze %dma_wait3A_651 : memref<1x206x128xf32, #tpu.memory_space<hbm>> -> memref<206x128xf32, #tpu.memory_space<hbm>>
    %dma_wait3A_653 = arith.constant 0 : i32
    %dma_wait3A_654 = arith.constant 0 : i32
    %dma_wait3A_655 = tpu.memref_slice %arg3[%add3A_335, %dma_wait3A_653, %dma_wait3A_654] : memref<1024x206x128xf32, #tpu.memory_space<hbm>> -> memref<1x206x128xf32, #tpu.memory_space<hbm>>
    %dma_wait3A_656 = tpu.memref_squeeze %dma_wait3A_655 : memref<1x206x128xf32, #tpu.memory_space<hbm>> -> memref<206x128xf32, #tpu.memory_space<hbm>>
    tpu.wait_dma2 semaphore(%arg6 : memref<!tpu.dma_semaphore, #tpu.memory_space<semaphore_mem>>) src(%arg5 : memref<206x128xf32, #tpu.memory_space<vmem>>) dst(%dma_wait3A_656 : memref<206x128xf32, #tpu.memory_space<hbm>>)
    %dma_wait3A_657 = arith.constant 0 : i32
    %dma_wait3A_658 = arith.constant 0 : i32
    %dma_wait3A_659 = tpu.memref_slice %arg3[%add3A_345, %dma_wait3A_657, %dma_wait3A_658] : memref<1024x206x128xf32, #tpu.memory_space<hbm>> -> memref<1x206x128xf32, #tpu.memory_space<hbm>>
    %dma_wait3A_660 = tpu.memref_squeeze %dma_wait3A_659 : memref<1x206x128xf32, #tpu.memory_space<hbm>> -> memref<206x128xf32, #tpu.memory_space<hbm>>
    %dma_wait3A_661 = arith.constant 0 : i32
    %dma_wait3A_662 = arith.constant 0 : i32
    %dma_wait3A_663 = tpu.memref_slice %arg3[%add3A_345, %dma_wait3A_661, %dma_wait3A_662] : memref<1024x206x128xf32, #tpu.memory_space<hbm>> -> memref<1x206x128xf32, #tpu.memory_space<hbm>>
    %dma_wait3A_664 = tpu.memref_squeeze %dma_wait3A_663 : memref<1x206x128xf32, #tpu.memory_space<hbm>> -> memref<206x128xf32, #tpu.memory_space<hbm>>
    tpu.wait_dma2 semaphore(%arg6 : memref<!tpu.dma_semaphore, #tpu.memory_space<semaphore_mem>>) src(%arg5 : memref<206x128xf32, #tpu.memory_space<vmem>>) dst(%dma_wait3A_664 : memref<206x128xf32, #tpu.memory_space<hbm>>)
    %dma_wait3A_665 = arith.constant 0 : i32
    %dma_wait3A_666 = arith.constant 0 : i32
    %dma_wait3A_667 = tpu.memref_slice %arg3[%add3A_355, %dma_wait3A_665, %dma_wait3A_666] : memref<1024x206x128xf32, #tpu.memory_space<hbm>> -> memref<1x206x128xf32, #tpu.memory_space<hbm>>
    %dma_wait3A_668 = tpu.memref_squeeze %dma_wait3A_667 : memref<1x206x128xf32, #tpu.memory_space<hbm>> -> memref<206x128xf32, #tpu.memory_space<hbm>>
    %dma_wait3A_669 = arith.constant 0 : i32
    %dma_wait3A_670 = arith.constant 0 : i32
    %dma_wait3A_671 = tpu.memref_slice %arg3[%add3A_355, %dma_wait3A_669, %dma_wait3A_670] : memref<1024x206x128xf32, #tpu.memory_space<hbm>> -> memref<1x206x128xf32, #tpu.memory_space<hbm>>
    %dma_wait3A_672 = tpu.memref_squeeze %dma_wait3A_671 : memref<1x206x128xf32, #tpu.memory_space<hbm>> -> memref<206x128xf32, #tpu.memory_space<hbm>>
    tpu.wait_dma2 semaphore(%arg6 : memref<!tpu.dma_semaphore, #tpu.memory_space<semaphore_mem>>) src(%arg5 : memref<206x128xf32, #tpu.memory_space<vmem>>) dst(%dma_wait3A_672 : memref<206x128xf32, #tpu.memory_space<hbm>>)
    %dma_wait3A_673 = arith.constant 0 : i32
    %dma_wait3A_674 = arith.constant 0 : i32
    %dma_wait3A_675 = tpu.memref_slice %arg3[%add3A_365, %dma_wait3A_673, %dma_wait3A_674] : memref<1024x206x128xf32, #tpu.memory_space<hbm>> -> memref<1x206x128xf32, #tpu.memory_space<hbm>>
    %dma_wait3A_676 = tpu.memref_squeeze %dma_wait3A_675 : memref<1x206x128xf32, #tpu.memory_space<hbm>> -> memref<206x128xf32, #tpu.memory_space<hbm>>
    %dma_wait3A_677 = arith.constant 0 : i32
    %dma_wait3A_678 = arith.constant 0 : i32
    %dma_wait3A_679 = tpu.memref_slice %arg3[%add3A_365, %dma_wait3A_677, %dma_wait3A_678] : memref<1024x206x128xf32, #tpu.memory_space<hbm>> -> memref<1x206x128xf32, #tpu.memory_space<hbm>>
    %dma_wait3A_680 = tpu.memref_squeeze %dma_wait3A_679 : memref<1x206x128xf32, #tpu.memory_space<hbm>> -> memref<206x128xf32, #tpu.memory_space<hbm>>
    tpu.wait_dma2 semaphore(%arg6 : memref<!tpu.dma_semaphore, #tpu.memory_space<semaphore_mem>>) src(%arg5 : memref<206x128xf32, #tpu.memory_space<vmem>>) dst(%dma_wait3A_680 : memref<206x128xf32, #tpu.memory_space<hbm>>)
    %dma_wait3A_681 = arith.constant 0 : i32
    %dma_wait3A_682 = arith.constant 0 : i32
    %dma_wait3A_683 = tpu.memref_slice %arg3[%add3A_375, %dma_wait3A_681, %dma_wait3A_682] : memref<1024x206x128xf32, #tpu.memory_space<hbm>> -> memref<1x206x128xf32, #tpu.memory_space<hbm>>
    %dma_wait3A_684 = tpu.memref_squeeze %dma_wait3A_683 : memref<1x206x128xf32, #tpu.memory_space<hbm>> -> memref<206x128xf32, #tpu.memory_space<hbm>>
    %dma_wait3A_685 = arith.constant 0 : i32
    %dma_wait3A_686 = arith.constant 0 : i32
    %dma_wait3A_687 = tpu.memref_slice %arg3[%add3A_375, %dma_wait3A_685, %dma_wait3A_686] : memref<1024x206x128xf32, #tpu.memory_space<hbm>> -> memref<1x206x128xf32, #tpu.memory_space<hbm>>
    %dma_wait3A_688 = tpu.memref_squeeze %dma_wait3A_687 : memref<1x206x128xf32, #tpu.memory_space<hbm>> -> memref<206x128xf32, #tpu.memory_space<hbm>>
    tpu.wait_dma2 semaphore(%arg6 : memref<!tpu.dma_semaphore, #tpu.memory_space<semaphore_mem>>) src(%arg5 : memref<206x128xf32, #tpu.memory_space<vmem>>) dst(%dma_wait3A_688 : memref<206x128xf32, #tpu.memory_space<hbm>>)
    %dma_wait3A_689 = arith.constant 0 : i32
    %dma_wait3A_690 = arith.constant 0 : i32
    %dma_wait3A_691 = tpu.memref_slice %arg3[%add3A_385, %dma_wait3A_689, %dma_wait3A_690] : memref<1024x206x128xf32, #tpu.memory_space<hbm>> -> memref<1x206x128xf32, #tpu.memory_space<hbm>>
    %dma_wait3A_692 = tpu.memref_squeeze %dma_wait3A_691 : memref<1x206x128xf32, #tpu.memory_space<hbm>> -> memref<206x128xf32, #tpu.memory_space<hbm>>
    %dma_wait3A_693 = arith.constant 0 : i32
    %dma_wait3A_694 = arith.constant 0 : i32
    %dma_wait3A_695 = tpu.memref_slice %arg3[%add3A_385, %dma_wait3A_693, %dma_wait3A_694] : memref<1024x206x128xf32, #tpu.memory_space<hbm>> -> memref<1x206x128xf32, #tpu.memory_space<hbm>>
    %dma_wait3A_696 = tpu.memref_squeeze %dma_wait3A_695 : memref<1x206x128xf32, #tpu.memory_space<hbm>> -> memref<206x128xf32, #tpu.memory_space<hbm>>
    tpu.wait_dma2 semaphore(%arg6 : memref<!tpu.dma_semaphore, #tpu.memory_space<semaphore_mem>>) src(%arg5 : memref<206x128xf32, #tpu.memory_space<vmem>>) dst(%dma_wait3A_696 : memref<206x128xf32, #tpu.memory_space<hbm>>)
    %dma_wait3A_697 = arith.constant 0 : i32
    %dma_wait3A_698 = arith.constant 0 : i32
    %dma_wait3A_699 = tpu.memref_slice %arg3[%add3A_395, %dma_wait3A_697, %dma_wait3A_698] : memref<1024x206x128xf32, #tpu.memory_space<hbm>> -> memref<1x206x128xf32, #tpu.memory_space<hbm>>
    %dma_wait3A_700 = tpu.memref_squeeze %dma_wait3A_699 : memref<1x206x128xf32, #tpu.memory_space<hbm>> -> memref<206x128xf32, #tpu.memory_space<hbm>>
    %dma_wait3A_701 = arith.constant 0 : i32
    %dma_wait3A_702 = arith.constant 0 : i32
    %dma_wait3A_703 = tpu.memref_slice %arg3[%add3A_395, %dma_wait3A_701, %dma_wait3A_702] : memref<1024x206x128xf32, #tpu.memory_space<hbm>> -> memref<1x206x128xf32, #tpu.memory_space<hbm>>
    %dma_wait3A_704 = tpu.memref_squeeze %dma_wait3A_703 : memref<1x206x128xf32, #tpu.memory_space<hbm>> -> memref<206x128xf32, #tpu.memory_space<hbm>>
    tpu.wait_dma2 semaphore(%arg6 : memref<!tpu.dma_semaphore, #tpu.memory_space<semaphore_mem>>) src(%arg5 : memref<206x128xf32, #tpu.memory_space<vmem>>) dst(%dma_wait3A_704 : memref<206x128xf32, #tpu.memory_space<hbm>>)
    %dma_wait3A_705 = arith.constant 0 : i32
    %dma_wait3A_706 = arith.constant 0 : i32
    %dma_wait3A_707 = tpu.memref_slice %arg3[%add3A_405, %dma_wait3A_705, %dma_wait3A_706] : memref<1024x206x128xf32, #tpu.memory_space<hbm>> -> memref<1x206x128xf32, #tpu.memory_space<hbm>>
    %dma_wait3A_708 = tpu.memref_squeeze %dma_wait3A_707 : memref<1x206x128xf32, #tpu.memory_space<hbm>> -> memref<206x128xf32, #tpu.memory_space<hbm>>
    %dma_wait3A_709 = arith.constant 0 : i32
    %dma_wait3A_710 = arith.constant 0 : i32
    %dma_wait3A_711 = tpu.memref_slice %arg3[%add3A_405, %dma_wait3A_709, %dma_wait3A_710] : memref<1024x206x128xf32, #tpu.memory_space<hbm>> -> memref<1x206x128xf32, #tpu.memory_space<hbm>>
    %dma_wait3A_712 = tpu.memref_squeeze %dma_wait3A_711 : memref<1x206x128xf32, #tpu.memory_space<hbm>> -> memref<206x128xf32, #tpu.memory_space<hbm>>
    tpu.wait_dma2 semaphore(%arg6 : memref<!tpu.dma_semaphore, #tpu.memory_space<semaphore_mem>>) src(%arg5 : memref<206x128xf32, #tpu.memory_space<vmem>>) dst(%dma_wait3A_712 : memref<206x128xf32, #tpu.memory_space<hbm>>)
    %dma_wait3A_713 = arith.constant 0 : i32
    %dma_wait3A_714 = arith.constant 0 : i32
    %dma_wait3A_715 = tpu.memref_slice %arg3[%add3A_415, %dma_wait3A_713, %dma_wait3A_714] : memref<1024x206x128xf32, #tpu.memory_space<hbm>> -> memref<1x206x128xf32, #tpu.memory_space<hbm>>
    %dma_wait3A_716 = tpu.memref_squeeze %dma_wait3A_715 : memref<1x206x128xf32, #tpu.memory_space<hbm>> -> memref<206x128xf32, #tpu.memory_space<hbm>>
    %dma_wait3A_717 = arith.constant 0 : i32
    %dma_wait3A_718 = arith.constant 0 : i32
    %dma_wait3A_719 = tpu.memref_slice %arg3[%add3A_415, %dma_wait3A_717, %dma_wait3A_718] : memref<1024x206x128xf32, #tpu.memory_space<hbm>> -> memref<1x206x128xf32, #tpu.memory_space<hbm>>
    %dma_wait3A_720 = tpu.memref_squeeze %dma_wait3A_719 : memref<1x206x128xf32, #tpu.memory_space<hbm>> -> memref<206x128xf32, #tpu.memory_space<hbm>>
    tpu.wait_dma2 semaphore(%arg6 : memref<!tpu.dma_semaphore, #tpu.memory_space<semaphore_mem>>) src(%arg5 : memref<206x128xf32, #tpu.memory_space<vmem>>) dst(%dma_wait3A_720 : memref<206x128xf32, #tpu.memory_space<hbm>>)
    %dma_wait3A_721 = arith.constant 0 : i32
    %dma_wait3A_722 = arith.constant 0 : i32
    %dma_wait3A_723 = tpu.memref_slice %arg3[%add3A_425, %dma_wait3A_721, %dma_wait3A_722] : memref<1024x206x128xf32, #tpu.memory_space<hbm>> -> memref<1x206x128xf32, #tpu.memory_space<hbm>>
    %dma_wait3A_724 = tpu.memref_squeeze %dma_wait3A_723 : memref<1x206x128xf32, #tpu.memory_space<hbm>> -> memref<206x128xf32, #tpu.memory_space<hbm>>
    %dma_wait3A_725 = arith.constant 0 : i32
    %dma_wait3A_726 = arith.constant 0 : i32
    %dma_wait3A_727 = tpu.memref_slice %arg3[%add3A_425, %dma_wait3A_725, %dma_wait3A_726] : memref<1024x206x128xf32, #tpu.memory_space<hbm>> -> memref<1x206x128xf32, #tpu.memory_space<hbm>>
    %dma_wait3A_728 = tpu.memref_squeeze %dma_wait3A_727 : memref<1x206x128xf32, #tpu.memory_space<hbm>> -> memref<206x128xf32, #tpu.memory_space<hbm>>
    tpu.wait_dma2 semaphore(%arg6 : memref<!tpu.dma_semaphore, #tpu.memory_space<semaphore_mem>>) src(%arg5 : memref<206x128xf32, #tpu.memory_space<vmem>>) dst(%dma_wait3A_728 : memref<206x128xf32, #tpu.memory_space<hbm>>)
    %dma_wait3A_729 = arith.constant 0 : i32
    %dma_wait3A_730 = arith.constant 0 : i32
    %dma_wait3A_731 = tpu.memref_slice %arg3[%add3A_435, %dma_wait3A_729, %dma_wait3A_730] : memref<1024x206x128xf32, #tpu.memory_space<hbm>> -> memref<1x206x128xf32, #tpu.memory_space<hbm>>
    %dma_wait3A_732 = tpu.memref_squeeze %dma_wait3A_731 : memref<1x206x128xf32, #tpu.memory_space<hbm>> -> memref<206x128xf32, #tpu.memory_space<hbm>>
    %dma_wait3A_733 = arith.constant 0 : i32
    %dma_wait3A_734 = arith.constant 0 : i32
    %dma_wait3A_735 = tpu.memref_slice %arg3[%add3A_435, %dma_wait3A_733, %dma_wait3A_734] : memref<1024x206x128xf32, #tpu.memory_space<hbm>> -> memref<1x206x128xf32, #tpu.memory_space<hbm>>
    %dma_wait3A_736 = tpu.memref_squeeze %dma_wait3A_735 : memref<1x206x128xf32, #tpu.memory_space<hbm>> -> memref<206x128xf32, #tpu.memory_space<hbm>>
    tpu.wait_dma2 semaphore(%arg6 : memref<!tpu.dma_semaphore, #tpu.memory_space<semaphore_mem>>) src(%arg5 : memref<206x128xf32, #tpu.memory_space<vmem>>) dst(%dma_wait3A_736 : memref<206x128xf32, #tpu.memory_space<hbm>>)
    %dma_wait3A_737 = arith.constant 0 : i32
    %dma_wait3A_738 = arith.constant 0 : i32
    %dma_wait3A_739 = tpu.memref_slice %arg3[%add3A_445, %dma_wait3A_737, %dma_wait3A_738] : memref<1024x206x128xf32, #tpu.memory_space<hbm>> -> memref<1x206x128xf32, #tpu.memory_space<hbm>>
    %dma_wait3A_740 = tpu.memref_squeeze %dma_wait3A_739 : memref<1x206x128xf32, #tpu.memory_space<hbm>> -> memref<206x128xf32, #tpu.memory_space<hbm>>
    %dma_wait3A_741 = arith.constant 0 : i32
    %dma_wait3A_742 = arith.constant 0 : i32
    %dma_wait3A_743 = tpu.memref_slice %arg3[%add3A_445, %dma_wait3A_741, %dma_wait3A_742] : memref<1024x206x128xf32, #tpu.memory_space<hbm>> -> memref<1x206x128xf32, #tpu.memory_space<hbm>>
    %dma_wait3A_744 = tpu.memref_squeeze %dma_wait3A_743 : memref<1x206x128xf32, #tpu.memory_space<hbm>> -> memref<206x128xf32, #tpu.memory_space<hbm>>
    tpu.wait_dma2 semaphore(%arg6 : memref<!tpu.dma_semaphore, #tpu.memory_space<semaphore_mem>>) src(%arg5 : memref<206x128xf32, #tpu.memory_space<vmem>>) dst(%dma_wait3A_744 : memref<206x128xf32, #tpu.memory_space<hbm>>)
    %dma_wait3A_745 = arith.constant 0 : i32
    %dma_wait3A_746 = arith.constant 0 : i32
    %dma_wait3A_747 = tpu.memref_slice %arg3[%add3A_455, %dma_wait3A_745, %dma_wait3A_746] : memref<1024x206x128xf32, #tpu.memory_space<hbm>> -> memref<1x206x128xf32, #tpu.memory_space<hbm>>
    %dma_wait3A_748 = tpu.memref_squeeze %dma_wait3A_747 : memref<1x206x128xf32, #tpu.memory_space<hbm>> -> memref<206x128xf32, #tpu.memory_space<hbm>>
    %dma_wait3A_749 = arith.constant 0 : i32
    %dma_wait3A_750 = arith.constant 0 : i32
    %dma_wait3A_751 = tpu.memref_slice %arg3[%add3A_455, %dma_wait3A_749, %dma_wait3A_750] : memref<1024x206x128xf32, #tpu.memory_space<hbm>> -> memref<1x206x128xf32, #tpu.memory_space<hbm>>
    %dma_wait3A_752 = tpu.memref_squeeze %dma_wait3A_751 : memref<1x206x128xf32, #tpu.memory_space<hbm>> -> memref<206x128xf32, #tpu.memory_space<hbm>>
    tpu.wait_dma2 semaphore(%arg6 : memref<!tpu.dma_semaphore, #tpu.memory_space<semaphore_mem>>) src(%arg5 : memref<206x128xf32, #tpu.memory_space<vmem>>) dst(%dma_wait3A_752 : memref<206x128xf32, #tpu.memory_space<hbm>>)
    %dma_wait3A_753 = arith.constant 0 : i32
    %dma_wait3A_754 = arith.constant 0 : i32
    %dma_wait3A_755 = tpu.memref_slice %arg3[%add3A_465, %dma_wait3A_753, %dma_wait3A_754] : memref<1024x206x128xf32, #tpu.memory_space<hbm>> -> memref<1x206x128xf32, #tpu.memory_space<hbm>>
    %dma_wait3A_756 = tpu.memref_squeeze %dma_wait3A_755 : memref<1x206x128xf32, #tpu.memory_space<hbm>> -> memref<206x128xf32, #tpu.memory_space<hbm>>
    %dma_wait3A_757 = arith.constant 0 : i32
    %dma_wait3A_758 = arith.constant 0 : i32
    %dma_wait3A_759 = tpu.memref_slice %arg3[%add3A_465, %dma_wait3A_757, %dma_wait3A_758] : memref<1024x206x128xf32, #tpu.memory_space<hbm>> -> memref<1x206x128xf32, #tpu.memory_space<hbm>>
    %dma_wait3A_760 = tpu.memref_squeeze %dma_wait3A_759 : memref<1x206x128xf32, #tpu.memory_space<hbm>> -> memref<206x128xf32, #tpu.memory_space<hbm>>
    tpu.wait_dma2 semaphore(%arg6 : memref<!tpu.dma_semaphore, #tpu.memory_space<semaphore_mem>>) src(%arg5 : memref<206x128xf32, #tpu.memory_space<vmem>>) dst(%dma_wait3A_760 : memref<206x128xf32, #tpu.memory_space<hbm>>)
    %dma_wait3A_761 = arith.constant 0 : i32
    %dma_wait3A_762 = arith.constant 0 : i32
    %dma_wait3A_763 = tpu.memref_slice %arg3[%add3A_475, %dma_wait3A_761, %dma_wait3A_762] : memref<1024x206x128xf32, #tpu.memory_space<hbm>> -> memref<1x206x128xf32, #tpu.memory_space<hbm>>
    %dma_wait3A_764 = tpu.memref_squeeze %dma_wait3A_763 : memref<1x206x128xf32, #tpu.memory_space<hbm>> -> memref<206x128xf32, #tpu.memory_space<hbm>>
    %dma_wait3A_765 = arith.constant 0 : i32
    %dma_wait3A_766 = arith.constant 0 : i32
    %dma_wait3A_767 = tpu.memref_slice %arg3[%add3A_475, %dma_wait3A_765, %dma_wait3A_766] : memref<1024x206x128xf32, #tpu.memory_space<hbm>> -> memref<1x206x128xf32, #tpu.memory_space<hbm>>
    %dma_wait3A_768 = tpu.memref_squeeze %dma_wait3A_767 : memref<1x206x128xf32, #tpu.memory_space<hbm>> -> memref<206x128xf32, #tpu.memory_space<hbm>>
    tpu.wait_dma2 semaphore(%arg6 : memref<!tpu.dma_semaphore, #tpu.memory_space<semaphore_mem>>) src(%arg5 : memref<206x128xf32, #tpu.memory_space<vmem>>) dst(%dma_wait3A_768 : memref<206x128xf32, #tpu.memory_space<hbm>>)
    %dma_wait3A_769 = arith.constant 0 : i32
    %dma_wait3A_770 = arith.constant 0 : i32
    %dma_wait3A_771 = tpu.memref_slice %arg3[%add3A_485, %dma_wait3A_769, %dma_wait3A_770] : memref<1024x206x128xf32, #tpu.memory_space<hbm>> -> memref<1x206x128xf32, #tpu.memory_space<hbm>>
    %dma_wait3A_772 = tpu.memref_squeeze %dma_wait3A_771 : memref<1x206x128xf32, #tpu.memory_space<hbm>> -> memref<206x128xf32, #tpu.memory_space<hbm>>
    %dma_wait3A_773 = arith.constant 0 : i32
    %dma_wait3A_774 = arith.constant 0 : i32
    %dma_wait3A_775 = tpu.memref_slice %arg3[%add3A_485, %dma_wait3A_773, %dma_wait3A_774] : memref<1024x206x128xf32, #tpu.memory_space<hbm>> -> memref<1x206x128xf32, #tpu.memory_space<hbm>>
    %dma_wait3A_776 = tpu.memref_squeeze %dma_wait3A_775 : memref<1x206x128xf32, #tpu.memory_space<hbm>> -> memref<206x128xf32, #tpu.memory_space<hbm>>
    tpu.wait_dma2 semaphore(%arg6 : memref<!tpu.dma_semaphore, #tpu.memory_space<semaphore_mem>>) src(%arg5 : memref<206x128xf32, #tpu.memory_space<vmem>>) dst(%dma_wait3A_776 : memref<206x128xf32, #tpu.memory_space<hbm>>)
    %dma_wait3A_777 = arith.constant 0 : i32
    %dma_wait3A_778 = arith.constant 0 : i32
    %dma_wait3A_779 = tpu.memref_slice %arg3[%add3A_495, %dma_wait3A_777, %dma_wait3A_778] : memref<1024x206x128xf32, #tpu.memory_space<hbm>> -> memref<1x206x128xf32, #tpu.memory_space<hbm>>
    %dma_wait3A_780 = tpu.memref_squeeze %dma_wait3A_779 : memref<1x206x128xf32, #tpu.memory_space<hbm>> -> memref<206x128xf32, #tpu.memory_space<hbm>>
    %dma_wait3A_781 = arith.constant 0 : i32
    %dma_wait3A_782 = arith.constant 0 : i32
    %dma_wait3A_783 = tpu.memref_slice %arg3[%add3A_495, %dma_wait3A_781, %dma_wait3A_782] : memref<1024x206x128xf32, #tpu.memory_space<hbm>> -> memref<1x206x128xf32, #tpu.memory_space<hbm>>
    %dma_wait3A_784 = tpu.memref_squeeze %dma_wait3A_783 : memref<1x206x128xf32, #tpu.memory_space<hbm>> -> memref<206x128xf32, #tpu.memory_space<hbm>>
    tpu.wait_dma2 semaphore(%arg6 : memref<!tpu.dma_semaphore, #tpu.memory_space<semaphore_mem>>) src(%arg5 : memref<206x128xf32, #tpu.memory_space<vmem>>) dst(%dma_wait3A_784 : memref<206x128xf32, #tpu.memory_space<hbm>>)
    %dma_wait3A_785 = arith.constant 0 : i32
    %dma_wait3A_786 = arith.constant 0 : i32
    %dma_wait3A_787 = tpu.memref_slice %arg3[%add3A_505, %dma_wait3A_785, %dma_wait3A_786] : memref<1024x206x128xf32, #tpu.memory_space<hbm>> -> memref<1x206x128xf32, #tpu.memory_space<hbm>>
    %dma_wait3A_788 = tpu.memref_squeeze %dma_wait3A_787 : memref<1x206x128xf32, #tpu.memory_space<hbm>> -> memref<206x128xf32, #tpu.memory_space<hbm>>
    %dma_wait3A_789 = arith.constant 0 : i32
    %dma_wait3A_790 = arith.constant 0 : i32
    %dma_wait3A_791 = tpu.memref_slice %arg3[%add3A_505, %dma_wait3A_789, %dma_wait3A_790] : memref<1024x206x128xf32, #tpu.memory_space<hbm>> -> memref<1x206x128xf32, #tpu.memory_space<hbm>>
    %dma_wait3A_792 = tpu.memref_squeeze %dma_wait3A_791 : memref<1x206x128xf32, #tpu.memory_space<hbm>> -> memref<206x128xf32, #tpu.memory_space<hbm>>
    tpu.wait_dma2 semaphore(%arg6 : memref<!tpu.dma_semaphore, #tpu.memory_space<semaphore_mem>>) src(%arg5 : memref<206x128xf32, #tpu.memory_space<vmem>>) dst(%dma_wait3A_792 : memref<206x128xf32, #tpu.memory_space<hbm>>)
    %dma_wait3A_793 = arith.constant 0 : i32
    %dma_wait3A_794 = arith.constant 0 : i32
    %dma_wait3A_795 = tpu.memref_slice %arg3[%add3A_515, %dma_wait3A_793, %dma_wait3A_794] : memref<1024x206x128xf32, #tpu.memory_space<hbm>> -> memref<1x206x128xf32, #tpu.memory_space<hbm>>
    %dma_wait3A_796 = tpu.memref_squeeze %dma_wait3A_795 : memref<1x206x128xf32, #tpu.memory_space<hbm>> -> memref<206x128xf32, #tpu.memory_space<hbm>>
    %dma_wait3A_797 = arith.constant 0 : i32
    %dma_wait3A_798 = arith.constant 0 : i32
    %dma_wait3A_799 = tpu.memref_slice %arg3[%add3A_515, %dma_wait3A_797, %dma_wait3A_798] : memref<1024x206x128xf32, #tpu.memory_space<hbm>> -> memref<1x206x128xf32, #tpu.memory_space<hbm>>
    %dma_wait3A_800 = tpu.memref_squeeze %dma_wait3A_799 : memref<1x206x128xf32, #tpu.memory_space<hbm>> -> memref<206x128xf32, #tpu.memory_space<hbm>>
    tpu.wait_dma2 semaphore(%arg6 : memref<!tpu.dma_semaphore, #tpu.memory_space<semaphore_mem>>) src(%arg5 : memref<206x128xf32, #tpu.memory_space<vmem>>) dst(%dma_wait3A_800 : memref<206x128xf32, #tpu.memory_space<hbm>>)
    %dma_wait3A_801 = arith.constant 0 : i32
    %dma_wait3A_802 = arith.constant 0 : i32
    %dma_wait3A_803 = tpu.memref_slice %arg3[%add3A_525, %dma_wait3A_801, %dma_wait3A_802] : memref<1024x206x128xf32, #tpu.memory_space<hbm>> -> memref<1x206x128xf32, #tpu.memory_space<hbm>>
    %dma_wait3A_804 = tpu.memref_squeeze %dma_wait3A_803 : memref<1x206x128xf32, #tpu.memory_space<hbm>> -> memref<206x128xf32, #tpu.memory_space<hbm>>
    %dma_wait3A_805 = arith.constant 0 : i32
    %dma_wait3A_806 = arith.constant 0 : i32
    %dma_wait3A_807 = tpu.memref_slice %arg3[%add3A_525, %dma_wait3A_805, %dma_wait3A_806] : memref<1024x206x128xf32, #tpu.memory_space<hbm>> -> memref<1x206x128xf32, #tpu.memory_space<hbm>>
    %dma_wait3A_808 = tpu.memref_squeeze %dma_wait3A_807 : memref<1x206x128xf32, #tpu.memory_space<hbm>> -> memref<206x128xf32, #tpu.memory_space<hbm>>
    tpu.wait_dma2 semaphore(%arg6 : memref<!tpu.dma_semaphore, #tpu.memory_space<semaphore_mem>>) src(%arg5 : memref<206x128xf32, #tpu.memory_space<vmem>>) dst(%dma_wait3A_808 : memref<206x128xf32, #tpu.memory_space<hbm>>)
    %dma_wait3A_809 = arith.constant 0 : i32
    %dma_wait3A_810 = arith.constant 0 : i32
    %dma_wait3A_811 = tpu.memref_slice %arg3[%add3A_535, %dma_wait3A_809, %dma_wait3A_810] : memref<1024x206x128xf32, #tpu.memory_space<hbm>> -> memref<1x206x128xf32, #tpu.memory_space<hbm>>
    %dma_wait3A_812 = tpu.memref_squeeze %dma_wait3A_811 : memref<1x206x128xf32, #tpu.memory_space<hbm>> -> memref<206x128xf32, #tpu.memory_space<hbm>>
    %dma_wait3A_813 = arith.constant 0 : i32
    %dma_wait3A_814 = arith.constant 0 : i32
    %dma_wait3A_815 = tpu.memref_slice %arg3[%add3A_535, %dma_wait3A_813, %dma_wait3A_814] : memref<1024x206x128xf32, #tpu.memory_space<hbm>> -> memref<1x206x128xf32, #tpu.memory_space<hbm>>
    %dma_wait3A_816 = tpu.memref_squeeze %dma_wait3A_815 : memref<1x206x128xf32, #tpu.memory_space<hbm>> -> memref<206x128xf32, #tpu.memory_space<hbm>>
    tpu.wait_dma2 semaphore(%arg6 : memref<!tpu.dma_semaphore, #tpu.memory_space<semaphore_mem>>) src(%arg5 : memref<206x128xf32, #tpu.memory_space<vmem>>) dst(%dma_wait3A_816 : memref<206x128xf32, #tpu.memory_space<hbm>>)
    %dma_wait3A_817 = arith.constant 0 : i32
    %dma_wait3A_818 = arith.constant 0 : i32
    %dma_wait3A_819 = tpu.memref_slice %arg3[%add3A_545, %dma_wait3A_817, %dma_wait3A_818] : memref<1024x206x128xf32, #tpu.memory_space<hbm>> -> memref<1x206x128xf32, #tpu.memory_space<hbm>>
    %dma_wait3A_820 = tpu.memref_squeeze %dma_wait3A_819 : memref<1x206x128xf32, #tpu.memory_space<hbm>> -> memref<206x128xf32, #tpu.memory_space<hbm>>
    %dma_wait3A_821 = arith.constant 0 : i32
    %dma_wait3A_822 = arith.constant 0 : i32
    %dma_wait3A_823 = tpu.memref_slice %arg3[%add3A_545, %dma_wait3A_821, %dma_wait3A_822] : memref<1024x206x128xf32, #tpu.memory_space<hbm>> -> memref<1x206x128xf32, #tpu.memory_space<hbm>>
    %dma_wait3A_824 = tpu.memref_squeeze %dma_wait3A_823 : memref<1x206x128xf32, #tpu.memory_space<hbm>> -> memref<206x128xf32, #tpu.memory_space<hbm>>
    tpu.wait_dma2 semaphore(%arg6 : memref<!tpu.dma_semaphore, #tpu.memory_space<semaphore_mem>>) src(%arg5 : memref<206x128xf32, #tpu.memory_space<vmem>>) dst(%dma_wait3A_824 : memref<206x128xf32, #tpu.memory_space<hbm>>)
    %dma_wait3A_825 = arith.constant 0 : i32
    %dma_wait3A_826 = arith.constant 0 : i32
    %dma_wait3A_827 = tpu.memref_slice %arg3[%add3A_555, %dma_wait3A_825, %dma_wait3A_826] : memref<1024x206x128xf32, #tpu.memory_space<hbm>> -> memref<1x206x128xf32, #tpu.memory_space<hbm>>
    %dma_wait3A_828 = tpu.memref_squeeze %dma_wait3A_827 : memref<1x206x128xf32, #tpu.memory_space<hbm>> -> memref<206x128xf32, #tpu.memory_space<hbm>>
    %dma_wait3A_829 = arith.constant 0 : i32
    %dma_wait3A_830 = arith.constant 0 : i32
    %dma_wait3A_831 = tpu.memref_slice %arg3[%add3A_555, %dma_wait3A_829, %dma_wait3A_830] : memref<1024x206x128xf32, #tpu.memory_space<hbm>> -> memref<1x206x128xf32, #tpu.memory_space<hbm>>
    %dma_wait3A_832 = tpu.memref_squeeze %dma_wait3A_831 : memref<1x206x128xf32, #tpu.memory_space<hbm>> -> memref<206x128xf32, #tpu.memory_space<hbm>>
    tpu.wait_dma2 semaphore(%arg6 : memref<!tpu.dma_semaphore, #tpu.memory_space<semaphore_mem>>) src(%arg5 : memref<206x128xf32, #tpu.memory_space<vmem>>) dst(%dma_wait3A_832 : memref<206x128xf32, #tpu.memory_space<hbm>>)
    %dma_wait3A_833 = arith.constant 0 : i32
    %dma_wait3A_834 = arith.constant 0 : i32
    %dma_wait3A_835 = tpu.memref_slice %arg3[%add3A_565, %dma_wait3A_833, %dma_wait3A_834] : memref<1024x206x128xf32, #tpu.memory_space<hbm>> -> memref<1x206x128xf32, #tpu.memory_space<hbm>>
    %dma_wait3A_836 = tpu.memref_squeeze %dma_wait3A_835 : memref<1x206x128xf32, #tpu.memory_space<hbm>> -> memref<206x128xf32, #tpu.memory_space<hbm>>
    %dma_wait3A_837 = arith.constant 0 : i32
    %dma_wait3A_838 = arith.constant 0 : i32
    %dma_wait3A_839 = tpu.memref_slice %arg3[%add3A_565, %dma_wait3A_837, %dma_wait3A_838] : memref<1024x206x128xf32, #tpu.memory_space<hbm>> -> memref<1x206x128xf32, #tpu.memory_space<hbm>>
    %dma_wait3A_840 = tpu.memref_squeeze %dma_wait3A_839 : memref<1x206x128xf32, #tpu.memory_space<hbm>> -> memref<206x128xf32, #tpu.memory_space<hbm>>
    tpu.wait_dma2 semaphore(%arg6 : memref<!tpu.dma_semaphore, #tpu.memory_space<semaphore_mem>>) src(%arg5 : memref<206x128xf32, #tpu.memory_space<vmem>>) dst(%dma_wait3A_840 : memref<206x128xf32, #tpu.memory_space<hbm>>)
    %dma_wait3A_841 = arith.constant 0 : i32
    %dma_wait3A_842 = arith.constant 0 : i32
    %dma_wait3A_843 = tpu.memref_slice %arg3[%add3A_575, %dma_wait3A_841, %dma_wait3A_842] : memref<1024x206x128xf32, #tpu.memory_space<hbm>> -> memref<1x206x128xf32, #tpu.memory_space<hbm>>
    %dma_wait3A_844 = tpu.memref_squeeze %dma_wait3A_843 : memref<1x206x128xf32, #tpu.memory_space<hbm>> -> memref<206x128xf32, #tpu.memory_space<hbm>>
    %dma_wait3A_845 = arith.constant 0 : i32
    %dma_wait3A_846 = arith.constant 0 : i32
    %dma_wait3A_847 = tpu.memref_slice %arg3[%add3A_575, %dma_wait3A_845, %dma_wait3A_846] : memref<1024x206x128xf32, #tpu.memory_space<hbm>> -> memref<1x206x128xf32, #tpu.memory_space<hbm>>
    %dma_wait3A_848 = tpu.memref_squeeze %dma_wait3A_847 : memref<1x206x128xf32, #tpu.memory_space<hbm>> -> memref<206x128xf32, #tpu.memory_space<hbm>>
    tpu.wait_dma2 semaphore(%arg6 : memref<!tpu.dma_semaphore, #tpu.memory_space<semaphore_mem>>) src(%arg5 : memref<206x128xf32, #tpu.memory_space<vmem>>) dst(%dma_wait3A_848 : memref<206x128xf32, #tpu.memory_space<hbm>>)
    %dma_wait3A_849 = arith.constant 0 : i32
    %dma_wait3A_850 = arith.constant 0 : i32
    %dma_wait3A_851 = tpu.memref_slice %arg3[%add3A_585, %dma_wait3A_849, %dma_wait3A_850] : memref<1024x206x128xf32, #tpu.memory_space<hbm>> -> memref<1x206x128xf32, #tpu.memory_space<hbm>>
    %dma_wait3A_852 = tpu.memref_squeeze %dma_wait3A_851 : memref<1x206x128xf32, #tpu.memory_space<hbm>> -> memref<206x128xf32, #tpu.memory_space<hbm>>
    %dma_wait3A_853 = arith.constant 0 : i32
    %dma_wait3A_854 = arith.constant 0 : i32
    %dma_wait3A_855 = tpu.memref_slice %arg3[%add3A_585, %dma_wait3A_853, %dma_wait3A_854] : memref<1024x206x128xf32, #tpu.memory_space<hbm>> -> memref<1x206x128xf32, #tpu.memory_space<hbm>>
    %dma_wait3A_856 = tpu.memref_squeeze %dma_wait3A_855 : memref<1x206x128xf32, #tpu.memory_space<hbm>> -> memref<206x128xf32, #tpu.memory_space<hbm>>
    tpu.wait_dma2 semaphore(%arg6 : memref<!tpu.dma_semaphore, #tpu.memory_space<semaphore_mem>>) src(%arg5 : memref<206x128xf32, #tpu.memory_space<vmem>>) dst(%dma_wait3A_856 : memref<206x128xf32, #tpu.memory_space<hbm>>)
    %dma_wait3A_857 = arith.constant 0 : i32
    %dma_wait3A_858 = arith.constant 0 : i32
    %dma_wait3A_859 = tpu.memref_slice %arg3[%add3A_595, %dma_wait3A_857, %dma_wait3A_858] : memref<1024x206x128xf32, #tpu.memory_space<hbm>> -> memref<1x206x128xf32, #tpu.memory_space<hbm>>
    %dma_wait3A_860 = tpu.memref_squeeze %dma_wait3A_859 : memref<1x206x128xf32, #tpu.memory_space<hbm>> -> memref<206x128xf32, #tpu.memory_space<hbm>>
    %dma_wait3A_861 = arith.constant 0 : i32
    %dma_wait3A_862 = arith.constant 0 : i32
    %dma_wait3A_863 = tpu.memref_slice %arg3[%add3A_595, %dma_wait3A_861, %dma_wait3A_862] : memref<1024x206x128xf32, #tpu.memory_space<hbm>> -> memref<1x206x128xf32, #tpu.memory_space<hbm>>
    %dma_wait3A_864 = tpu.memref_squeeze %dma_wait3A_863 : memref<1x206x128xf32, #tpu.memory_space<hbm>> -> memref<206x128xf32, #tpu.memory_space<hbm>>
    tpu.wait_dma2 semaphore(%arg6 : memref<!tpu.dma_semaphore, #tpu.memory_space<semaphore_mem>>) src(%arg5 : memref<206x128xf32, #tpu.memory_space<vmem>>) dst(%dma_wait3A_864 : memref<206x128xf32, #tpu.memory_space<hbm>>)
    %dma_wait3A_865 = arith.constant 0 : i32
    %dma_wait3A_866 = arith.constant 0 : i32
    %dma_wait3A_867 = tpu.memref_slice %arg3[%add3A_605, %dma_wait3A_865, %dma_wait3A_866] : memref<1024x206x128xf32, #tpu.memory_space<hbm>> -> memref<1x206x128xf32, #tpu.memory_space<hbm>>
    %dma_wait3A_868 = tpu.memref_squeeze %dma_wait3A_867 : memref<1x206x128xf32, #tpu.memory_space<hbm>> -> memref<206x128xf32, #tpu.memory_space<hbm>>
    %dma_wait3A_869 = arith.constant 0 : i32
    %dma_wait3A_870 = arith.constant 0 : i32
    %dma_wait3A_871 = tpu.memref_slice %arg3[%add3A_605, %dma_wait3A_869, %dma_wait3A_870] : memref<1024x206x128xf32, #tpu.memory_space<hbm>> -> memref<1x206x128xf32, #tpu.memory_space<hbm>>
    %dma_wait3A_872 = tpu.memref_squeeze %dma_wait3A_871 : memref<1x206x128xf32, #tpu.memory_space<hbm>> -> memref<206x128xf32, #tpu.memory_space<hbm>>
    tpu.wait_dma2 semaphore(%arg6 : memref<!tpu.dma_semaphore, #tpu.memory_space<semaphore_mem>>) src(%arg5 : memref<206x128xf32, #tpu.memory_space<vmem>>) dst(%dma_wait3A_872 : memref<206x128xf32, #tpu.memory_space<hbm>>)
    %dma_wait3A_873 = arith.constant 0 : i32
    %dma_wait3A_874 = arith.constant 0 : i32
    %dma_wait3A_875 = tpu.memref_slice %arg3[%add3A_615, %dma_wait3A_873, %dma_wait3A_874] : memref<1024x206x128xf32, #tpu.memory_space<hbm>> -> memref<1x206x128xf32, #tpu.memory_space<hbm>>
    %dma_wait3A_876 = tpu.memref_squeeze %dma_wait3A_875 : memref<1x206x128xf32, #tpu.memory_space<hbm>> -> memref<206x128xf32, #tpu.memory_space<hbm>>
    %dma_wait3A_877 = arith.constant 0 : i32
    %dma_wait3A_878 = arith.constant 0 : i32
    %dma_wait3A_879 = tpu.memref_slice %arg3[%add3A_615, %dma_wait3A_877, %dma_wait3A_878] : memref<1024x206x128xf32, #tpu.memory_space<hbm>> -> memref<1x206x128xf32, #tpu.memory_space<hbm>>
    %dma_wait3A_880 = tpu.memref_squeeze %dma_wait3A_879 : memref<1x206x128xf32, #tpu.memory_space<hbm>> -> memref<206x128xf32, #tpu.memory_space<hbm>>
    tpu.wait_dma2 semaphore(%arg6 : memref<!tpu.dma_semaphore, #tpu.memory_space<semaphore_mem>>) src(%arg5 : memref<206x128xf32, #tpu.memory_space<vmem>>) dst(%dma_wait3A_880 : memref<206x128xf32, #tpu.memory_space<hbm>>)
    %dma_wait3A_881 = arith.constant 0 : i32
    %dma_wait3A_882 = arith.constant 0 : i32
    %dma_wait3A_883 = tpu.memref_slice %arg3[%add3A_625, %dma_wait3A_881, %dma_wait3A_882] : memref<1024x206x128xf32, #tpu.memory_space<hbm>> -> memref<1x206x128xf32, #tpu.memory_space<hbm>>
    %dma_wait3A_884 = tpu.memref_squeeze %dma_wait3A_883 : memref<1x206x128xf32, #tpu.memory_space<hbm>> -> memref<206x128xf32, #tpu.memory_space<hbm>>
    %dma_wait3A_885 = arith.constant 0 : i32
    %dma_wait3A_886 = arith.constant 0 : i32
    %dma_wait3A_887 = tpu.memref_slice %arg3[%add3A_625, %dma_wait3A_885, %dma_wait3A_886] : memref<1024x206x128xf32, #tpu.memory_space<hbm>> -> memref<1x206x128xf32, #tpu.memory_space<hbm>>
    %dma_wait3A_888 = tpu.memref_squeeze %dma_wait3A_887 : memref<1x206x128xf32, #tpu.memory_space<hbm>> -> memref<206x128xf32, #tpu.memory_space<hbm>>
    tpu.wait_dma2 semaphore(%arg6 : memref<!tpu.dma_semaphore, #tpu.memory_space<semaphore_mem>>) src(%arg5 : memref<206x128xf32, #tpu.memory_space<vmem>>) dst(%dma_wait3A_888 : memref<206x128xf32, #tpu.memory_space<hbm>>)
    return
  }
}

</mosaic_0001>

<sc_bundles>
// kernel: kernel.3.cloned.1.call-start
scs
__scs_entry_jumppad:
0x0: {  	(pc) =	sbr.rel $0x88, $3  }
0x1: {  	(tag) =	ssettag $0x0;
	lr =	simm.s32 $0x1  }
0x2: {  	[smem:$0x3FA0] =	sst lr;
	_ =	strace $0xD0000000  }
0x3: {  	_ = 	snop  }
0x4: {  	_ = 	snop  }
0x5: {  	_ = 	snop  }
0x6: {  	_ = 	snop  }
0x7: {  	_ = 	snop  }
__scs_overlays_trampoline_lowered:
0x8: {  	[smem:$0x3FAF] =	sst s0  }
0x9: {  	[smem:$0x3FB0] =	sst s1  }
0xa: {  	[smem:$0x3FB1] =	sst s2  }
0xb: {  	[smem:$0x3FB2] =	sst s3  }
0xc: {  	[smem:$0x3FB3] =	sst s4  }
0xd: {  	[smem:$0x3FB4] =	sst s5  }
0xe: {  	[smem:$0x3FB5] =	sst s6  }
0xf: {  	[smem:$0x3FB6] =	sst s7  }
0x10: {  	[smem:$0x3FB7] =	sst s8  }
0x11: {  	[smem:$0x3FB8] =	sst s9;
	s0 =	simm.s32 @!p0 $0x0  }
0x12: {  	s1 =	sld [smem:$0x3F9E];
	s0 =	simm.s32 @p0 $0x1  }
0x13: {  	[smem:$0x3FB9] =	sst s0;
	s0 =	simm.s32 @!p1 $0x0  }
0x14: {  	s2 =	sld [smem:$0x3F9D];
	s0 =	simm.s32 @p1 $0x1  }
0x15: {  	[smem:$0x3FBA] =	sst s0;
	s0 =	simm.s32 @!p2 $0x0  }
0x16: {  	s3 =	sld [smem:$0x3FDB];
	s0 =	simm.s32 @p2 $0x1  }
0x17: {  	s4 =	simm.s32 $0x1BF5;
	[smem:$0x3FBC] =	sst s0  }
0x18: {  	s0 =	sld [smem:$0x3F9F];
	_ =	swait.ge [sflag:s4], $0x0  }
0x19: {  	s7 =	sld [smem:$0x3FA0]  }
0x1a: {  	s8 =	sadd.s32 $0xFFFFE003, lr  }
0x1b: {  	s9 =	sadd.s32 $0xFFFFFEF7, lr;
	s5 =	simm.s32 $0xFFFFFFFF;
	p2 =	slt.u32 s8, $0xFFFFF086  }
0x1c: {  	p1 =	slt.u32 s9, $0xF7A;
	s5 =	simm.s32 @!p2 $0x0  }
0x1d: {  	s5 =	simm.s32 @p1 $0x1;
	p0 =	seq.s32 s7, s2  }
0x1e: {  	s7 =	smul.u32 @!p0 $0xF7A, s2;
	p2 =	seq.s32 @!p0 s5, $0x0  }
0x1f: {  	s9 =	smul.u32 $0xF7A, s1;
	s8 =	simm.s32 @!p0 $0x1BF5;
	p2 =	por !p2, p0  }
0x20: {  	[sflag:s8] =	ssyncset.s32 @!p0 $0xFFFFF086;
	s6 =	sadd.s32 @!p0 s3, s7;
	s7 =	simm.s32 @!p0 $0x108  }
0x21: {  	s3 =	sadd.s32 s3, s9;
	s6 =	sadd.s32 @!p0 $0x88, s6;
	s7 =	simm.s32 @p2 $0x1082  }
0x22: {  	[simem:s7], [sflag:s8] =	dma.local @!p0 [hbm:s6], $0xF7A  }
0x23: {  	s9 =	sor.u32 $0xD0000000, s2;
	s6 =	simm.s32 $0x108;
	_ =	swait.ge @!p0 [sflag:s8], $0x0  }
0x24: {  	s3 =	sadd.s32 $0x88, s3;
	s6 =	simm.s32 @!p1 $0x1082;
	[sflag:s4] =	ssyncset.s32 $0xFFFFF086  }
0x25: {  	[simem:s6], [sflag:s4] =	dma.local [hbm:s3], $0xF7A  }
0x26: {  	[smem:$0x3FA0] =	sst s1;
	(tag) =	ssettag s2;
	_ =	strace s9  }
0x27: {  	s1 =	sld [smem:$0x3FB0]  }
0x28: {  	s2 =	sld [smem:$0x3FB1]  }
0x29: {  	s4 =	sld [smem:$0x3FB3]  }
0x2a: {  	p0 =	seq.s32 s5, $0x0;
	s5 =	sld [smem:$0x3FB4]  }
0x2b: {  	s6 =	sld [smem:$0x3FB5]  }
0x2c: {  	s7 =	sld [smem:$0x3FB6]  }
0x2d: {  	s3 =	simm.s32 $0x108;
	s8 =	sld [smem:$0x3FB7]  }
0x2e: {  	s3 =	simm.s32 @!p0 $0x1082;
	s9 =	sld [smem:$0x3FB8]  }
0x2f: {  	lr =	sadd.s32 s0, s3;
	s0 =	sld [smem:$0x3FAF]  }
0x30: {  	s3 =	sld [smem:$0x3FB2]  }
0x31: {  	[smem:$0x3FBB] =	sst s10  }
0x32: {  	s10 =	sld [smem:$0x3FB9];
	_ =	sdelay $0x3  }
0x33: {  	p0 =	seq.s32 s10, $0x1;
	s10 =	sld [smem:$0x3FBB];
	_ =	sdelay $0x3  }
0x34: {  	[smem:$0x3FBB] =	sst s10  }
0x35: {  	s10 =	sld [smem:$0x3FBA];
	_ =	sdelay $0x3  }
0x36: {  	p1 =	seq.s32 s10, $0x1;
	s10 =	sld [smem:$0x3FBB];
	_ =	sdelay $0x3  }
0x37: {  	[smem:$0x3FBB] =	sst s10  }
0x38: {  	s10 =	sld [smem:$0x3FBC]  }
0x39: {  	_ = 	snop;
	(pc) =	sbr.ind lr, $3  }
0x3a: {  	_ = 	snop  }
0x3b: {  	_ = 	snop  }
0x3c: {  	p2 =	seq.s32 s10, $0x1;
	s10 =	sld [smem:$0x3FBB]  }
0x3d: {  	_ =	shalt  }
0x3e: {  	_ =	shalt  }
0x3f: {  	_ =	shalt  }
0x40: {  	_ =	shalt  }
0x41: {  	_ =	shalt  }
0x42: {  	_ =	shalt  }
0x43: {  	_ =	shalt  }
0x44: {  	_ =	shalt  }
0x45: {  	_ =	shalt  }
0x46: {  	_ =	shalt  }
0x47: {  	_ =	shalt  }
0x48: {  	_ =	shalt  }
0x49: {  	_ =	shalt  }
0x4a: {  	_ =	shalt  }
0x4b: {  	_ =	shalt  }
0x4c: {  	_ =	shalt  }
0x4d: {  	_ =	shalt  }
0x4e: {  	_ =	shalt  }
0x4f: {  	_ =	shalt  }
0x50: {  	_ =	shalt  }
0x51: {  	_ =	shalt  }
0x52: {  	_ =	shalt  }
0x53: {  	_ =	shalt  }
0x54: {  	_ =	shalt  }
0x55: {  	_ =	shalt  }
0x56: {  	_ =	shalt  }
0x57: {  	_ =	shalt  }
0x58: {  	_ =	shalt  }
0x59: {  	_ =	shalt  }
0x5a: {  	_ =	shalt  }
0x5b: {  	_ =	shalt  }
0x5c: {  	_ =	shalt  }
0x5d: {  	_ =	shalt  }
0x5e: {  	_ =	shalt  }
0x5f: {  	_ =	shalt  }
0x60: {  	_ =	shalt  }
0x61: {  	_ =	shalt  }
0x62: {  	_ =	shalt  }
0x63: {  	_ =	shalt  }
0x64: {  	_ =	shalt  }
0x65: {  	_ =	shalt  }
0x66: {  	_ =	shalt  }
0x67: {  	_ =	shalt  }
0x68: {  	_ =	shalt  }
0x69: {  	_ =	shalt  }
0x6a: {  	_ =	shalt  }
0x6b: {  	_ =	shalt  }
0x6c: {  	_ =	shalt  }
0x6d: {  	_ =	shalt  }
0x6e: {  	_ =	shalt  }
0x6f: {  	_ =	shalt  }
0x70: {  	_ =	shalt  }
0x71: {  	_ =	shalt  }
0x72: {  	_ =	shalt  }
0x73: {  	_ =	shalt  }
0x74: {  	_ =	shalt  }
0x75: {  	_ =	shalt  }
0x76: {  	_ =	shalt  }
0x77: {  	_ =	shalt  }
0x78: {  	_ =	shalt  }
0x79: {  	_ =	shalt  }
0x7a: {  	_ =	shalt  }
0x7b: {  	_ =	shalt  }
0x7c: {  	_ =	shalt  }
0x7d: {  	_ =	shalt  }
0x7e: {  	_ =	shalt  }
0x7f: {  	_ =	shalt  }
0x80: {  	_ =	shalt  }
0x81: {  	_ =	shalt  }
0x82: {  	_ =	shalt  }
0x83: {  	_ =	shalt  }
0x84: {  	_ =	shalt  }
0x85: {  	_ =	shalt  }
0x86: {  	_ =	shalt  }
0x87: {  	_ =	shalt  }
.Lfunc_end0:
.L_simem_size_0:
called_computation_lowered:
.L_overlay_start_0:
0x88: {  	s2 =	sld [smem:$0x3FD9]  }
0x89: {  	s3 =	sld [smem:$0x3FFE];
	_ =	sdelay $0x1  }
0x8a: {  	s1 =	srdreg.scid  }
0x8b: {  	s0 =	sand.u32 $0x1, s1  }
0x8c: {  	s17 =	sshll.u32 s0, $0xA;
	s2 =	sadd.s32 s3, s2  }
0x8d: {  	s2 =	sadd.s32 s2, s17  }
0x8e: {  	[smem:$0x3FC7] =	sst s2  }
0x8f: {  	_ = 	snop  }
0x90: {  	s2 =	sld [smem:$0x3FC9];
	(tm) =	ssettm $0x1  }
0x91: {  	s18 =	sld [smem:$0x3FFB];
	_ =	sdelay $0x3  }
0x92: {  	_ =	strace s18  }
0x93: {  	s3 =	sld [smem:$0x3FFC];
	_ =	sdelay $0x3  }
0x94: {  	_ =	strace s3  }
0x95: {  	s3 =	sld [smem:$0x3FFD];
	_ =	sdelay $0x3  }
0x96: {  	_ =	strace s3  }
0x97: {  	_ =	strace $0x8FFFFFFF  }
0x98: {  	s19 =	sld [smem:$0x3FDB];
	_ =	sdelay $0x1  }
0x99: {  	s4 =	simm.s32 $_scs_section_size  }
0x9a: {  	s5 =	simm.s32 $_size__tile_overlayer_lowered;
	s6 =	simm.s32 $_tile_overlayer_lowered  }
0x9b: {  	s22 =	simm.s32 $0x1BFF;
	s21 =	sshll.u32 s6, $0x1;
	s3 =	sadd.s32 s4, s19  }
0x9c: {  	s7 =	simm.s32 $0x0;
	s20 =	sshll.u32 s5, $0x1;
	s5 =	sadd.s32 s21, s3  }
0x9d: {  	[timem:s7], [sflag:s22] =	dma.local [hbm:s5], s20  }
0x9e: {  	_ =	swait.ge [sflag:s22], s20  }
0x9f: {  	s4 =	ssub.s32 $0x0, s20;
	[sflag:s22] =	ssyncset.done $0x0  }
0xa0: {  	[sflag:s22] =	ssyncadd.s32 s4;
	_ =	sdelay $0x1  }
0xa1: {  	s23 =	simm.s32 $0x1B8B  }
0xa2: {  	_ =	swait.ge [sflag:s23], $0x1  }
0xa3: {  	[sflag:s23] =	ssyncset.done $0x0  }
0xa4: {  	s25 =	simm.s32 $0x1B8E;
	s24 =	sld [smem:$0x3FFE];
	[sflag:s23] =	ssyncadd.s32 $0xFFFFFFFF  }
0xa5: {  	s26 =	simm.s32 $execute0_lowered;
	[smem:$0x3FD2] =	sst s25  }
0xa6: {  	s5 =	sshll.u32 s26, $0x1;
	_ =	strace $0x80000046;
	[dreg:$0x1] =	wrdreg $0xFFFFFFFF  }
0xa7: {  	s28 =	simm.s32 $_size_execute0_lowered;
	s3 =	sadd.s32 s3, s5;
	[dreg:$0x0] =	wrdreg $0x0  }
0xa8: {  	s5 =	sshll.u32 s28, $0x1;
	[dreg:$0x2] =	wrdreg s3  }
0xa9: {  	[dreg:$0x3] =	wrdreg s5  }
0xaa: {  	[dreg:$0x4] =	wrdreg $0xC0  }
0xab: {  	_ =	task [dreg:s7], $0x5FFFF  }
0xac: {  	[dreg:$0x1] =	wrdreg $0xFFFFFFFF  }
0xad: {  	[dreg:$0x0] =	wrdreg $0x60  }
0xae: {  	[dreg:$0x2] =	wrdreg s2  }
0xaf: {  	[dreg:$0x3] =	wrdreg s24  }
0xb0: {  	[dreg:$0x4] =	wrdreg $0x9  }
0xb1: {  	_ =	task.clear_ibuf [dreg:s7], $0x5FFFF;
	_ =	strace $0x90000046  }
0xb2: {  	s29 =	simm.s32 $0x9;
	_ =	strace $0x80000048  }
0xb3: {  	_ =	swait.ge [sflag:s29], $0x1  }
0xb4: {  	[sflag:s29] =	ssyncadd.s32 $0xFFFFFFFF  }
0xb5: {  	_ =	strace $0x90000048  }
0xb6: {  	_ =	sfence  }
0xb7: {  	s30 =	sld [smem:$0x0];
	_ =	sdelay $0x2  }
0xb8: {  	s31 =	sshll.u32 s1, $0xD;
	s1 =	sshrl.u32 s1, $0x2  }
0xb9: {  	s3 =	sand.u32 $0x4000, s31;
	s1 =	sadd.s32 s1, s30  }
0xba: {  	s0 =	sor.u32 s3, s0;
	s1 =	sshll.u32 s1, $0x11  }
0xbb: {  	s0 =	sor.u32 s1, s0  }
0xbc: {  	s0 =	sadd.s32 $0x8F2B, s0  }
0xbd: {  	[sflag:s0] =	ssyncadd.remote.s32 $0x1  }
0xbe: {  	_ =	sfence.sel $0xFFFF  }
0xbf: {  	[dreg:$0x0] =	wrdreg $0xFFFFFFFF;
	(pc) =	sbr.abs _section_cstart, $3  }
0xc0: {  	[dreg:$0x1] =	wrdreg $0xFFFFFFFF  }
0xc1: {  	_ =	task.clear_ibuf [dreg:s7], $0x2FFFF;
	_ =	strace $0x9FFFFFFF  }
0xc2: {  	(tm) =	ssettm $0x7FFFFFFF  }
0xc3: {  	_ =	shalt  }
tec
execute0_lowered:
.L_overlay_start_1:
0x0: {  	(tag) =	ssettag $0x1  }
0x1: {  	s0 =	srdreg.scid  }
0x2: {  	s2 =	stileid.u32;
	s1 =	rddreg [dreg:$0x1]  }
0x3: {  	s3 =	simm.s32 $0x0;
	s0 =	sand.u32 $0x1, s0;
	s2 =	sshll.u32 s2, $0x1  }
0x4: {  	s7 =	simm.s32 $0x2;
	s8 =	simm.s32 $0x400;
	s2 =	sor.u32 s0, s2  }
0x5: {  	s9 =	simm.s32 $0x1;
	s10 =	simm.s32 $0x0;
	s4 =	smul.u32 $0x6800, s2  }
0x6: {  	[smem:$0x7FF] =	sst s3;
	s0 =	ssub.s32 $0x2, s0;
	s2 =	smul.u32 $0xD00, s2  }
0x7: {  	s1 =	sadd.s32 $0x400, s1;
	_ =	strace $0x80000047;
	s5 =	sshrl.u32 s0, $0x1  }
0x8: {  	s6 =	ssub.s32 s0, s5;
	s4 =	sshrl.u32 s4, $0x3;
	s11 =	sadd.s32 s1, s2  }
0x9: {  	s6 =	smax.u32 s6, $0x1;
	[dreg:$0x3] =	wrdreg s11;
	s12 =	sadd.s32 s1, s4  }
0xa: {  	s19 =	sadd.s32 $0x1A000, s12;
	s20 =	sadd.s32 $0x34000, s12;
	s21 =	sadd.s32 $0x4E000, s12  }
0xb: {  	s22 =	sadd.s32 $0x68000, s12;
	s23 =	sadd.s32 $0x82000, s12;
	s24 =	sadd.s32 $0x9C000, s12  }
0xc: {  	s25 =	sadd.s32 $0xB6000, s12;
	s26 =	sadd.s32 $0xD0000, s12;
	s13 =	sadd.s32 $0xEA000, s12  }
0xd: {  	s14 =	sadd.s32 $0x104000, s12;
	s15 =	sadd.s32 $0x11E000, s12;
	[dreg:$0x4] =	wrdreg s19  }
0xe: {  	s16 =	sadd.s32 $0x138000, s12;
	s17 =	sadd.s32 $0x152000, s12;
	[dreg:$0x5] =	wrdreg s20  }
0xf: {  	s18 =	sadd.s32 $0x16C000, s12;
	s28 =	sadd.s32 $0x256000, s12;
	[dreg:$0x6] =	wrdreg s21  }
0x10: {  	s29 =	sadd.s32 $0x270000, s12;
	s30 =	sadd.s32 $0x28A000, s12;
	[dreg:$0x7] =	wrdreg s22  }
0x11: {  	s31 =	sadd.s32 $0x2A4000, s12;
	s1 =	sadd.s32 $0x2BE000, s12;
	[dreg:$0x8] =	wrdreg s23  }
0x12: {  	s0 =	sadd.s32 $0x2D8000, s12;
	s2 =	sadd.s32 $0x2F2000, s12;
	[dreg:$0x9] =	wrdreg s24  }
0x13: {  	s4 =	sadd.s32 $0x30C000, s12;
	s5 =	sadd.s32 $0x326000, s12;
	[dreg:$0xa] =	wrdreg s25  }
0x14: {  	[dreg:$0xb] =	wrdreg s26;
	s19 =	sadd.s32 $0x186000, s12;
	s20 =	sadd.s32 $0x1A0000, s12  }
0x15: {  	s21 =	sadd.s32 $0x1BA000, s12;
	s22 =	sadd.s32 $0x1D4000, s12;
	s23 =	sadd.s32 $0x1EE000, s12  }
0x16: {  	s24 =	sadd.s32 $0x208000, s12;
	s25 =	sadd.s32 $0x222000, s12;
	s26 =	sadd.s32 $0x23C000, s12  }
.LBB2_1:
0x17: {  	s11 =	rddreg [dreg:$0x0]  }
0x18: {  	[tilespmem:s3], [sflag:$0x2] =	stream.linear.gather [hbm4b:s11+s3], $0x300, $0x38;
	[tilespmem:$0x6C00] =	vst v63  }
0x19: {  	_ =	swait.ge [sflag:s7], $0x300  }
0x1a: {  	[sflag:s7] =	ssyncset.done $0x0  }
0x1b: {  	[sflag:s7] =	ssyncadd.s32 $0xFFFFFD00  }
0x1c: {  	v0 =	vld [tilespmem:$0x0]  }
0x1d: {  	v1 =	vld [tilespmem:$0x10]  }
0x1e: {  	v2 =	vld [tilespmem:$0x20]  }
0x1f: {  	v3 =	vld [tilespmem:$0x30]  }
0x20: {  	v4 =	vld [tilespmem:$0x40]  }
0x21: {  	v5 =	vld [tilespmem:$0x50]  }
0x22: {  	v6 =	vld [tilespmem:$0x60]  }
0x23: {  	v7 =	vld [tilespmem:$0x70];
	[tilespmem:$0x400] =	vst v0  }
0x24: {  	v0 =	vld [tilespmem:$0x100];
	[tilespmem:$0x410] =	vst v1  }
0x25: {  	v1 =	vld [tilespmem:$0x110];
	[tilespmem:$0x420] =	vst v2  }
0x26: {  	v2 =	vld [tilespmem:$0x120];
	[tilespmem:$0x430] =	vst v3  }
0x27: {  	[tilespmem:$0x440] =	vst v4;
	v4 =	vld [tilespmem:$0x170]  }
0x28: {  	[tilespmem:$0x450] =	vst v5;
	v5 =	vld [tilespmem:$0x160]  }
0x29: {  	[tilespmem:$0x460] =	vst v6;
	v6 =	vld [tilespmem:$0x150]  }
0x2a: {  	s11 =	simm.s32 $0x540;
	[tilespmem:$0x470] =	vst v7;
	v7 =	vld [tilespmem:$0x140]  }
0x2b: {  	v3 =	vld [tilespmem:$0x130];
	[tilespmem:s11+$0xFFFFFF40] =	vst v0  }
0x2c: {  	[tilespmem:s11+$0x130] =	vst v4  }
0x2d: {  	[tilespmem:s11+$0x120] =	vst v5  }
0x2e: {  	[tilespmem:s11+$0x110] =	vst v6  }
0x2f: {  	[tilespmem:s11+$0x100] =	vst v7  }
0x30: {  	[tilespmem:s11+$0xF0] =	vst v3  }
0x31: {  	[tilespmem:s11+$0xE0] =	vst v2  }
0x32: {  	[tilespmem:s11+$0xD0] =	vst v1  }
0x33: {  	[tilespmem:s11+$0xC0] =	vst v0  }
0x34: {  	[tilespmem:s11+$0xB0] =	vst v4  }
0x35: {  	[tilespmem:s11+$0xA0] =	vst v5  }
0x36: {  	[tilespmem:s11+$0x90] =	vst v6  }
0x37: {  	[tilespmem:s11+$0x80] =	vst v7  }
0x38: {  	[tilespmem:s11+$0x70] =	vst v3  }
0x39: {  	[tilespmem:s11+$0x60] =	vst v2  }
0x3a: {  	[tilespmem:s11+$0x50] =	vst v1  }
0x3b: {  	[tilespmem:s11+$0x40] =	vst v0  }
0x3c: {  	[tilespmem:s11+$0x30] =	vst v4  }
0x3d: {  	[tilespmem:s11+$0x20] =	vst v5  }
0x3e: {  	[tilespmem:s11+$0x10] =	vst v6  }
0x3f: {  	[tilespmem:s11+$0x0] =	vst v7  }
0x40: {  	[tilespmem:s11+$0xFFFFFFF0] =	vst v3  }
0x41: {  	[tilespmem:s11+$0xFFFFFFE0] =	vst v2  }
0x42: {  	[tilespmem:s11+$0xFFFFFFD0] =	vst v1  }
0x43: {  	[tilespmem:s11+$0xFFFFFFC0] =	vst v0  }
0x44: {  	[tilespmem:s11+$0xFFFFFFB0] =	vst v4  }
0x45: {  	[tilespmem:s11+$0xFFFFFFA0] =	vst v5  }
0x46: {  	[tilespmem:s11+$0xFFFFFF90] =	vst v6  }
0x47: {  	[tilespmem:s11+$0xFFFFFF80] =	vst v7  }
0x48: {  	[tilespmem:s11+$0xFFFFFF70] =	vst v3  }
0x49: {  	s12 =	simm.s32 $0x0;
	[tilespmem:s11+$0xFFFFFF60] =	vst v2  }
.LBB2_2:
0x4a: {  	s12 =	sadd.s32 $0x4, s12;
	[tilespmem:s11+$0xFFFFFF50] =	vst v1;
	s11 =	sadd.s32 $0x200, s11  }
0x4b: {  	[tilespmem:s11+$0xFFFFFF40] =	vst v0;
	p0 =	slt.u32 s12, $0x3C  }
0x4c: {  	[tilespmem:s11+$0x130] =	vst v4  }
0x4d: {  	[tilespmem:s11+$0x120] =	vst v5  }
0x4e: {  	[tilespmem:s11+$0x110] =	vst v6  }
0x4f: {  	[tilespmem:s11+$0x100] =	vst v7  }
0x50: {  	[tilespmem:s11+$0xF0] =	vst v3  }
0x51: {  	[tilespmem:s11+$0xE0] =	vst v2  }
0x52: {  	[tilespmem:s11+$0xD0] =	vst v1  }
0x53: {  	[tilespmem:s11+$0xC0] =	vst v0  }
0x54: {  	[tilespmem:s11+$0xB0] =	vst v4  }
0x55: {  	[tilespmem:s11+$0xA0] =	vst v5  }
0x56: {  	[tilespmem:s11+$0x90] =	vst v6  }
0x57: {  	[tilespmem:s11+$0x80] =	vst v7  }
0x58: {  	[tilespmem:s11+$0x70] =	vst v3  }
0x59: {  	[tilespmem:s11+$0x60] =	vst v2  }
0x5a: {  	[tilespmem:s11+$0x50] =	vst v1  }
0x5b: {  	[tilespmem:s11+$0x40] =	vst v0  }
0x5c: {  	[tilespmem:s11+$0x30] =	vst v4  }
0x5d: {  	[tilespmem:s11+$0x20] =	vst v5  }
0x5e: {  	[tilespmem:s11+$0x10] =	vst v6  }
0x5f: {  	[tilespmem:s11+$0x0] =	vst v7  }
0x60: {  	[tilespmem:s11+$0xFFFFFFF0] =	vst v3  }
0x61: {  	[tilespmem:s11+$0xFFFFFFE0] =	vst v2  }
0x62: {  	[tilespmem:s11+$0xFFFFFFD0] =	vst v1  }
0x63: {  	[tilespmem:s11+$0xFFFFFFC0] =	vst v0  }
0x64: {  	[tilespmem:s11+$0xFFFFFFB0] =	vst v4  }
.Ltmp0:
0x65: {  	[tilespmem:s11+$0xFFFFFFA0] =	vst v5;
	(pc) =	sbr.rel @p0 .LBB2_2-.Ltmp0, $4  }
0x66: {  	[tilespmem:s11+$0xFFFFFF90] =	vst v6  }
0x67: {  	[tilespmem:s11+$0xFFFFFF80] =	vst v7  }
0x68: {  	[tilespmem:s11+$0xFFFFFF70] =	vst v3  }
0x69: {  	[tilespmem:s11+$0xFFFFFF60] =	vst v2  }
0x6a: {  	[tilespmem:s11+$0xFFFFFF50] =	vst v1  }
0x6b: {  	v0 =	vld [tilespmem:$0x180]  }
0x6c: {  	v1 =	vld [tilespmem:$0x190]  }
0x6d: {  	v2 =	vld [tilespmem:$0x1A0]  }
0x6e: {  	v3 =	vld [tilespmem:$0x1B0]  }
0x6f: {  	v4 =	vld [tilespmem:$0x1C0]  }
0x70: {  	v5 =	vld [tilespmem:$0x1D0]  }
0x71: {  	v6 =	vld [tilespmem:$0x1E0]  }
0x72: {  	v7 =	vld [tilespmem:$0x1F0];
	[tilespmem:$0x2480] =	vst v0  }
0x73: {  	v0 =	vld [tilespmem:$0x200];
	[tilespmem:$0x2490] =	vst v1  }
0x74: {  	v1 =	vld [tilespmem:$0x210];
	[tilespmem:$0x24A0] =	vst v2  }
0x75: {  	v2 =	vld [tilespmem:$0x220];
	[tilespmem:$0x24B0] =	vst v3  }
0x76: {  	[tilespmem:$0x24C0] =	vst v4;
	v4 =	vld [tilespmem:$0x270]  }
0x77: {  	[tilespmem:$0x24D0] =	vst v5;
	v5 =	vld [tilespmem:$0x260]  }
0x78: {  	[tilespmem:$0x24E0] =	vst v6;
	v6 =	vld [tilespmem:$0x250]  }
0x79: {  	s11 =	simm.s32 $0x26F0;
	[tilespmem:$0x24F0] =	vst v7;
	v7 =	vld [tilespmem:$0x240]  }
0x7a: {  	v3 =	vld [tilespmem:$0x230];
	[tilespmem:s11+$0xFFFFFE10] =	vst v0  }
0x7b: {  	[tilespmem:s11+$0x0] =	vst v4  }
0x7c: {  	[tilespmem:s11+$0xFFFFFFF0] =	vst v5  }
0x7d: {  	[tilespmem:s11+$0xFFFFFFE0] =	vst v6  }
0x7e: {  	[tilespmem:s11+$0xFFFFFFD0] =	vst v7  }
0x7f: {  	[tilespmem:s11+$0xFFFFFFC0] =	vst v3  }
0x80: {  	[tilespmem:s11+$0xFFFFFFB0] =	vst v2  }
0x81: {  	[tilespmem:s11+$0xFFFFFFA0] =	vst v1  }
0x82: {  	[tilespmem:s11+$0xFFFFFF90] =	vst v0  }
0x83: {  	[tilespmem:s11+$0xFFFFFF80] =	vst v4  }
0x84: {  	[tilespmem:s11+$0xFFFFFF70] =	vst v5  }
0x85: {  	[tilespmem:s11+$0xFFFFFF60] =	vst v6  }
0x86: {  	[tilespmem:s11+$0xFFFFFF50] =	vst v7  }
0x87: {  	[tilespmem:s11+$0xFFFFFF40] =	vst v3  }
0x88: {  	[tilespmem:s11+$0xFFFFFF30] =	vst v2  }
0x89: {  	[tilespmem:s11+$0xFFFFFF20] =	vst v1  }
0x8a: {  	[tilespmem:s11+$0xFFFFFF10] =	vst v0  }
0x8b: {  	[tilespmem:s11+$0xFFFFFF00] =	vst v4  }
0x8c: {  	[tilespmem:s11+$0xFFFFFEF0] =	vst v5  }
0x8d: {  	[tilespmem:s11+$0xFFFFFEE0] =	vst v6  }
0x8e: {  	[tilespmem:s11+$0xFFFFFED0] =	vst v7  }
0x8f: {  	[tilespmem:s11+$0xFFFFFEC0] =	vst v3  }
0x90: {  	[tilespmem:s11+$0xFFFFFEB0] =	vst v2  }
0x91: {  	[tilespmem:s11+$0xFFFFFEA0] =	vst v1  }
0x92: {  	[tilespmem:s11+$0xFFFFFE90] =	vst v0  }
0x93: {  	[tilespmem:s11+$0xFFFFFE80] =	vst v4  }
0x94: {  	[tilespmem:s11+$0xFFFFFE70] =	vst v5  }
0x95: {  	[tilespmem:s11+$0xFFFFFE60] =	vst v6  }
0x96: {  	[tilespmem:s11+$0xFFFFFE50] =	vst v7  }
0x97: {  	[tilespmem:s11+$0xFFFFFE40] =	vst v3  }
0x98: {  	s12 =	simm.s32 $0x0;
	[tilespmem:s11+$0xFFFFFE30] =	vst v2  }
.LBB2_4:
0x99: {  	s12 =	sadd.s32 $0x4, s12;
	[tilespmem:s11+$0xFFFFFE20] =	vst v1;
	s11 =	sadd.s32 $0x200, s11  }
0x9a: {  	[tilespmem:s11+$0xFFFFFE10] =	vst v0;
	p0 =	slt.u32 s12, $0x60  }
0x9b: {  	[tilespmem:s11+$0x0] =	vst v4  }
0x9c: {  	[tilespmem:s11+$0xFFFFFFF0] =	vst v5  }
0x9d: {  	[tilespmem:s11+$0xFFFFFFE0] =	vst v6  }
0x9e: {  	[tilespmem:s11+$0xFFFFFFD0] =	vst v7  }
0x9f: {  	[tilespmem:s11+$0xFFFFFFC0] =	vst v3  }
0xa0: {  	[tilespmem:s11+$0xFFFFFFB0] =	vst v2  }
0xa1: {  	[tilespmem:s11+$0xFFFFFFA0] =	vst v1  }
0xa2: {  	[tilespmem:s11+$0xFFFFFF90] =	vst v0  }
0xa3: {  	[tilespmem:s11+$0xFFFFFF80] =	vst v4  }
0xa4: {  	[tilespmem:s11+$0xFFFFFF70] =	vst v5  }
0xa5: {  	[tilespmem:s11+$0xFFFFFF60] =	vst v6  }
0xa6: {  	[tilespmem:s11+$0xFFFFFF50] =	vst v7  }
0xa7: {  	[tilespmem:s11+$0xFFFFFF40] =	vst v3  }
0xa8: {  	[tilespmem:s11+$0xFFFFFF30] =	vst v2  }
0xa9: {  	[tilespmem:s11+$0xFFFFFF20] =	vst v1  }
0xaa: {  	[tilespmem:s11+$0xFFFFFF10] =	vst v0  }
0xab: {  	[tilespmem:s11+$0xFFFFFF00] =	vst v4  }
0xac: {  	[tilespmem:s11+$0xFFFFFEF0] =	vst v5  }
0xad: {  	[tilespmem:s11+$0xFFFFFEE0] =	vst v6  }
0xae: {  	[tilespmem:s11+$0xFFFFFED0] =	vst v7  }
0xaf: {  	[tilespmem:s11+$0xFFFFFEC0] =	vst v3  }
0xb0: {  	[tilespmem:s11+$0xFFFFFEB0] =	vst v2  }
0xb1: {  	[tilespmem:s11+$0xFFFFFEA0] =	vst v1  }
0xb2: {  	[tilespmem:s11+$0xFFFFFE90] =	vst v0  }
0xb3: {  	[tilespmem:s11+$0xFFFFFE80] =	vst v4  }
.Ltmp1:
0xb4: {  	[tilespmem:s11+$0xFFFFFE70] =	vst v5;
	(pc) =	sbr.rel @p0 .LBB2_4-.Ltmp1, $4  }
0xb5: {  	[tilespmem:s11+$0xFFFFFE60] =	vst v6  }
0xb6: {  	[tilespmem:s11+$0xFFFFFE50] =	vst v7  }
0xb7: {  	[tilespmem:s11+$0xFFFFFE40] =	vst v3  }
0xb8: {  	[tilespmem:s11+$0xFFFFFE30] =	vst v2  }
0xb9: {  	[tilespmem:s11+$0xFFFFFE20] =	vst v1  }
0xba: {  	v1 =	vld [tilespmem:$0x280]  }
0xbb: {  	v0 =	vld [tilespmem:$0x290]  }
0xbc: {  	v2 =	vld [tilespmem:$0x2A0]  }
0xbd: {  	v4 =	vld [tilespmem:$0x2F0]  }
0xbe: {  	v5 =	vld [tilespmem:$0x2E0]  }
0xbf: {  	v6 =	vld [tilespmem:$0x2D0]  }
0xc0: {  	s11 =	simm.s32 $0x5700;
	v7 =	vld [tilespmem:$0x2C0]  }
0xc1: {  	v3 =	vld [tilespmem:$0x2B0];
	[tilespmem:s11+$0x0] =	vst v1  }
0xc2: {  	[tilespmem:s11+$0x1F0] =	vst v4  }
0xc3: {  	[tilespmem:s11+$0x1E0] =	vst v5  }
0xc4: {  	[tilespmem:s11+$0x1D0] =	vst v6  }
0xc5: {  	[tilespmem:s11+$0x1C0] =	vst v7  }
0xc6: {  	[tilespmem:s11+$0x1B0] =	vst v3  }
0xc7: {  	[tilespmem:s11+$0x1A0] =	vst v2  }
0xc8: {  	[tilespmem:s11+$0x190] =	vst v0  }
0xc9: {  	[tilespmem:s11+$0x180] =	vst v1  }
0xca: {  	[tilespmem:s11+$0x170] =	vst v4  }
0xcb: {  	[tilespmem:s11+$0x160] =	vst v5  }
0xcc: {  	[tilespmem:s11+$0x150] =	vst v6  }
0xcd: {  	[tilespmem:s11+$0x140] =	vst v7  }
0xce: {  	[tilespmem:s11+$0x130] =	vst v3  }
0xcf: {  	[tilespmem:s11+$0x120] =	vst v2  }
0xd0: {  	[tilespmem:s11+$0x110] =	vst v0  }
0xd1: {  	[tilespmem:s11+$0x100] =	vst v1  }
0xd2: {  	[tilespmem:s11+$0xF0] =	vst v4  }
0xd3: {  	[tilespmem:s11+$0xE0] =	vst v5  }
0xd4: {  	[tilespmem:s11+$0xD0] =	vst v6  }
0xd5: {  	[tilespmem:s11+$0xC0] =	vst v7  }
0xd6: {  	[tilespmem:s11+$0xB0] =	vst v3  }
0xd7: {  	[tilespmem:s11+$0xA0] =	vst v2  }
0xd8: {  	[tilespmem:s11+$0x90] =	vst v0  }
0xd9: {  	[tilespmem:s11+$0x80] =	vst v1  }
0xda: {  	[tilespmem:s11+$0x70] =	vst v4  }
0xdb: {  	[tilespmem:s11+$0x60] =	vst v5  }
0xdc: {  	[tilespmem:s11+$0x50] =	vst v6  }
0xdd: {  	[tilespmem:s11+$0x40] =	vst v7  }
0xde: {  	[tilespmem:s11+$0x30] =	vst v3  }
0xdf: {  	s12 =	simm.s32 $0x0;
	[tilespmem:s11+$0x20] =	vst v2  }
.LBB2_6:
0xe0: {  	s12 =	sadd.s32 $0x4, s12;
	[tilespmem:s11+$0x10] =	vst v0;
	s11 =	sadd.s32 $0x200, s11  }
0xe1: {  	[tilespmem:s11+$0x0] =	vst v1;
	p0 =	slt.u32 s12, $0x24  }
0xe2: {  	[tilespmem:s11+$0x1F0] =	vst v4  }
0xe3: {  	[tilespmem:s11+$0x1E0] =	vst v5  }
0xe4: {  	[tilespmem:s11+$0x1D0] =	vst v6  }
0xe5: {  	[tilespmem:s11+$0x1C0] =	vst v7  }
0xe6: {  	[tilespmem:s11+$0x1B0] =	vst v3  }
0xe7: {  	[tilespmem:s11+$0x1A0] =	vst v2  }
0xe8: {  	[tilespmem:s11+$0x190] =	vst v0  }
0xe9: {  	[tilespmem:s11+$0x180] =	vst v1  }
0xea: {  	[tilespmem:s11+$0x170] =	vst v4  }
0xeb: {  	[tilespmem:s11+$0x160] =	vst v5  }
0xec: {  	[tilespmem:s11+$0x150] =	vst v6  }
0xed: {  	[tilespmem:s11+$0x140] =	vst v7  }
0xee: {  	[tilespmem:s11+$0x130] =	vst v3  }
0xef: {  	[tilespmem:s11+$0x120] =	vst v2  }
0xf0: {  	[tilespmem:s11+$0x110] =	vst v0  }
0xf1: {  	[tilespmem:s11+$0x100] =	vst v1  }
0xf2: {  	[tilespmem:s11+$0xF0] =	vst v4  }
0xf3: {  	[tilespmem:s11+$0xE0] =	vst v5  }
0xf4: {  	[tilespmem:s11+$0xD0] =	vst v6  }
0xf5: {  	[tilespmem:s11+$0xC0] =	vst v7  }
0xf6: {  	[tilespmem:s11+$0xB0] =	vst v3  }
0xf7: {  	[tilespmem:s11+$0xA0] =	vst v2  }
0xf8: {  	[tilespmem:s11+$0x90] =	vst v0  }
0xf9: {  	[tilespmem:s11+$0x80] =	vst v1  }
0xfa: {  	[tilespmem:s11+$0x70] =	vst v4  }
.Ltmp2:
0xfb: {  	[tilespmem:s11+$0x60] =	vst v5;
	(pc) =	sbr.rel @p0 .LBB2_6-.Ltmp2, $4  }
0xfc: {  	[tilespmem:s11+$0x50] =	vst v6  }
0xfd: {  	[tilespmem:s11+$0x40] =	vst v7  }
0xfe: {  	[tilespmem:s11+$0x30] =	vst v3  }
0xff: {  	[tilespmem:s11+$0x20] =	vst v2  }
0x100: {  	[tilespmem:s11+$0x10] =	vst v0;
	s12 =	rddreg [dreg:$0x3]  }
0x101: {  	[hbm4b:s12+s3] =	stream.linear.scatter [tilespmem:s8], [sflag:$0x1], $0x6700, $0x38;
	[tilespmem:$0x6C00] =	vst v63  }
0x102: {  	s12 =	rddreg [dreg:$0x4]  }
0x103: {  	[hbm4b:s12+s3] =	stream.linear.scatter [tilespmem:s8], [sflag:$0x1], $0x6700, $0x38;
	[tilespmem:$0x6C00] =	vst v63  }
0x104: {  	s12 =	rddreg [dreg:$0x5]  }
0x105: {  	[hbm4b:s12+s3] =	stream.linear.scatter [tilespmem:s8], [sflag:$0x1], $0x6700, $0x38;
	[tilespmem:$0x6C00] =	vst v63  }
0x106: {  	s12 =	rddreg [dreg:$0x6]  }
0x107: {  	[hbm4b:s12+s3] =	stream.linear.scatter [tilespmem:s8], [sflag:$0x1], $0x6700, $0x38;
	[tilespmem:$0x6C00] =	vst v63  }
0x108: {  	s12 =	rddreg [dreg:$0x7]  }
0x109: {  	[hbm4b:s12+s3] =	stream.linear.scatter [tilespmem:s8], [sflag:$0x1], $0x6700, $0x38;
	[tilespmem:$0x6C00] =	vst v63  }
0x10a: {  	s12 =	rddreg [dreg:$0x8]  }
0x10b: {  	[hbm4b:s12+s3] =	stream.linear.scatter [tilespmem:s8], [sflag:$0x1], $0x6700, $0x38;
	[tilespmem:$0x6C00] =	vst v63  }
0x10c: {  	s12 =	rddreg [dreg:$0x9]  }
0x10d: {  	[hbm4b:s12+s3] =	stream.linear.scatter [tilespmem:s8], [sflag:$0x1], $0x6700, $0x38;
	[tilespmem:$0x6C00] =	vst v63  }
0x10e: {  	s12 =	rddreg [dreg:$0xa]  }
0x10f: {  	[hbm4b:s12+s3] =	stream.linear.scatter [tilespmem:s8], [sflag:$0x1], $0x6700, $0x38;
	[tilespmem:$0x6C00] =	vst v63  }
0x110: {  	s12 =	rddreg [dreg:$0xb]  }
0x111: {  	[hbm4b:s12+s3] =	stream.linear.scatter [tilespmem:s8], [sflag:$0x1], $0x6700, $0x38;
	[tilespmem:$0x6C00] =	vst v63  }
0x112: {  	_ = 	snop  }
0x113: {  	[hbm4b:s13+s3] =	stream.linear.scatter [tilespmem:s8], [sflag:$0x1], $0x6700, $0x38;
	[tilespmem:$0x6C00] =	vst v63  }
0x114: {  	_ = 	snop  }
0x115: {  	[hbm4b:s14+s3] =	stream.linear.scatter [tilespmem:s8], [sflag:$0x1], $0x6700, $0x38;
	[tilespmem:$0x6C00] =	vst v63  }
0x116: {  	_ = 	snop  }
0x117: {  	[hbm4b:s15+s3] =	stream.linear.scatter [tilespmem:s8], [sflag:$0x1], $0x6700, $0x38;
	[tilespmem:$0x6C00] =	vst v63  }
0x118: {  	_ = 	snop  }
0x119: {  	[hbm4b:s16+s3] =	stream.linear.scatter [tilespmem:s8], [sflag:$0x1], $0x6700, $0x38;
	[tilespmem:$0x6C00] =	vst v63  }
0x11a: {  	_ = 	snop  }
0x11b: {  	[hbm4b:s17+s3] =	stream.linear.scatter [tilespmem:s8], [sflag:$0x1], $0x6700, $0x38;
	[tilespmem:$0x6C00] =	vst v63  }
0x11c: {  	_ = 	snop  }
0x11d: {  	[hbm4b:s18+s3] =	stream.linear.scatter [tilespmem:s8], [sflag:$0x1], $0x6700, $0x38;
	[tilespmem:$0x6C00] =	vst v63  }
0x11e: {  	_ = 	snop  }
0x11f: {  	[hbm4b:s19+s3] =	stream.linear.scatter [tilespmem:s8], [sflag:$0x1], $0x6700, $0x38;
	[tilespmem:$0x6C00] =	vst v63  }
0x120: {  	_ = 	snop  }
0x121: {  	[hbm4b:s20+s3] =	stream.linear.scatter [tilespmem:s8], [sflag:$0x1], $0x6700, $0x38;
	[tilespmem:$0x6C00] =	vst v63  }
0x122: {  	_ = 	snop  }
0x123: {  	[hbm4b:s21+s3] =	stream.linear.scatter [tilespmem:s8], [sflag:$0x1], $0x6700, $0x38;
	[tilespmem:$0x6C00] =	vst v63  }
0x124: {  	_ = 	snop  }
0x125: {  	[hbm4b:s22+s3] =	stream.linear.scatter [tilespmem:s8], [sflag:$0x1], $0x6700, $0x38;
	[tilespmem:$0x6C00] =	vst v63  }
0x126: {  	_ = 	snop  }
0x127: {  	[hbm4b:s23+s3] =	stream.linear.scatter [tilespmem:s8], [sflag:$0x1], $0x6700, $0x38;
	[tilespmem:$0x6C00] =	vst v63  }
0x128: {  	_ = 	snop  }
0x129: {  	[hbm4b:s24+s3] =	stream.linear.scatter [tilespmem:s8], [sflag:$0x1], $0x6700, $0x38;
	[tilespmem:$0x6C00] =	vst v63  }
0x12a: {  	_ = 	snop  }
0x12b: {  	[hbm4b:s25+s3] =	stream.linear.scatter [tilespmem:s8], [sflag:$0x1], $0x6700, $0x38;
	[tilespmem:$0x6C00] =	vst v63  }
0x12c: {  	_ = 	snop  }
0x12d: {  	[hbm4b:s26+s3] =	stream.linear.scatter [tilespmem:s8], [sflag:$0x1], $0x6700, $0x38;
	[tilespmem:$0x6C00] =	vst v63  }
0x12e: {  	_ = 	snop  }
0x12f: {  	[hbm4b:s28+s3] =	stream.linear.scatter [tilespmem:s8], [sflag:$0x1], $0x6700, $0x38;
	[tilespmem:$0x6C00] =	vst v63  }
0x130: {  	_ = 	snop  }
0x131: {  	[hbm4b:s29+s3] =	stream.linear.scatter [tilespmem:s8], [sflag:$0x1], $0x6700, $0x38;
	[tilespmem:$0x6C00] =	vst v63  }
0x132: {  	_ = 	snop  }
0x133: {  	[hbm4b:s30+s3] =	stream.linear.scatter [tilespmem:s8], [sflag:$0x1], $0x6700, $0x38;
	[tilespmem:$0x6C00] =	vst v63  }
0x134: {  	_ = 	snop  }
0x135: {  	[hbm4b:s31+s3] =	stream.linear.scatter [tilespmem:s8], [sflag:$0x1], $0x6700, $0x38;
	[tilespmem:$0x6C00] =	vst v63  }
0x136: {  	_ = 	snop  }
0x137: {  	[hbm4b:s1+s3] =	stream.linear.scatter [tilespmem:s8], [sflag:$0x1], $0x6700, $0x38;
	[tilespmem:$0x6C00] =	vst v63  }
0x138: {  	_ = 	snop  }
0x139: {  	[hbm4b:s0+s3] =	stream.linear.scatter [tilespmem:s8], [sflag:$0x1], $0x6700, $0x38;
	[tilespmem:$0x6C00] =	vst v63  }
0x13a: {  	_ = 	snop  }
0x13b: {  	[hbm4b:s2+s3] =	stream.linear.scatter [tilespmem:s8], [sflag:$0x1], $0x6700, $0x38;
	[tilespmem:$0x6C00] =	vst v63  }
0x13c: {  	_ = 	snop  }
0x13d: {  	[hbm4b:s4+s3] =	stream.linear.scatter [tilespmem:s8], [sflag:$0x1], $0x6700, $0x38;
	[tilespmem:$0x6C00] =	vst v63  }
0x13e: {  	_ = 	snop  }
0x13f: {  	[hbm4b:s5+s3] =	stream.linear.scatter [tilespmem:s8], [sflag:$0x1], $0x6700, $0x38;
	[tilespmem:$0x6C00] =	vst v63  }
0x140: {  	_ =	swait.ge [sflag:s9], $0x6700  }
0x141: {  	[sflag:s9] =	ssyncset.done $0x0  }
0x142: {  	[sflag:s9] =	ssyncadd.s32 $0xFFFF9900  }
0x143: {  	_ =	swait.ge [sflag:s9], $0x6700  }
0x144: {  	[sflag:s9] =	ssyncset.done $0x0  }
0x145: {  	[sflag:s9] =	ssyncadd.s32 $0xFFFF9900  }
0x146: {  	_ =	swait.ge [sflag:s9], $0x6700  }
0x147: {  	[sflag:s9] =	ssyncset.done $0x0  }
0x148: {  	[sflag:s9] =	ssyncadd.s32 $0xFFFF9900  }
0x149: {  	_ =	swait.ge [sflag:s9], $0x6700  }
0x14a: {  	[sflag:s9] =	ssyncset.done $0x0  }
0x14b: {  	[sflag:s9] =	ssyncadd.s32 $0xFFFF9900  }
0x14c: {  	_ =	swait.ge [sflag:s9], $0x6700  }
0x14d: {  	[sflag:s9] =	ssyncset.done $0x0  }
0x14e: {  	[sflag:s9] =	ssyncadd.s32 $0xFFFF9900  }
0x14f: {  	_ =	swait.ge [sflag:s9], $0x6700  }
0x150: {  	[sflag:s9] =	ssyncset.done $0x0  }
0x151: {  	[sflag:s9] =	ssyncadd.s32 $0xFFFF9900  }
0x152: {  	_ =	swait.ge [sflag:s9], $0x6700  }
0x153: {  	[sflag:s9] =	ssyncset.done $0x0  }
0x154: {  	[sflag:s9] =	ssyncadd.s32 $0xFFFF9900  }
0x155: {  	_ =	swait.ge [sflag:s9], $0x6700  }
0x156: {  	[sflag:s9] =	ssyncset.done $0x0  }
0x157: {  	[sflag:s9] =	ssyncadd.s32 $0xFFFF9900  }
0x158: {  	_ =	swait.ge [sflag:s9], $0x6700  }
0x159: {  	[sflag:s9] =	ssyncset.done $0x0  }
0x15a: {  	[sflag:s9] =	ssyncadd.s32 $0xFFFF9900  }
0x15b: {  	_ =	swait.ge [sflag:s9], $0x6700  }
0x15c: {  	[sflag:s9] =	ssyncset.done $0x0  }
0x15d: {  	[sflag:s9] =	ssyncadd.s32 $0xFFFF9900  }
0x15e: {  	_ =	swait.ge [sflag:s9], $0x6700  }
0x15f: {  	[sflag:s9] =	ssyncset.done $0x0  }
0x160: {  	[sflag:s9] =	ssyncadd.s32 $0xFFFF9900  }
0x161: {  	_ =	swait.ge [sflag:s9], $0x6700  }
0x162: {  	[sflag:s9] =	ssyncset.done $0x0  }
0x163: {  	[sflag:s9] =	ssyncadd.s32 $0xFFFF9900  }
0x164: {  	_ =	swait.ge [sflag:s9], $0x6700  }
0x165: {  	[sflag:s9] =	ssyncset.done $0x0  }
0x166: {  	[sflag:s9] =	ssyncadd.s32 $0xFFFF9900  }
0x167: {  	_ =	swait.ge [sflag:s9], $0x6700  }
0x168: {  	[sflag:s9] =	ssyncset.done $0x0  }
0x169: {  	[sflag:s9] =	ssyncadd.s32 $0xFFFF9900  }
0x16a: {  	_ =	swait.ge [sflag:s9], $0x6700  }
0x16b: {  	[sflag:s9] =	ssyncset.done $0x0  }
0x16c: {  	[sflag:s9] =	ssyncadd.s32 $0xFFFF9900  }
0x16d: {  	_ =	swait.ge [sflag:s9], $0x6700  }
0x16e: {  	[sflag:s9] =	ssyncset.done $0x0  }
0x16f: {  	[sflag:s9] =	ssyncadd.s32 $0xFFFF9900  }
0x170: {  	_ =	swait.ge [sflag:s9], $0x6700  }
0x171: {  	[sflag:s9] =	ssyncset.done $0x0  }
0x172: {  	[sflag:s9] =	ssyncadd.s32 $0xFFFF9900  }
0x173: {  	_ =	swait.ge [sflag:s9], $0x6700  }
0x174: {  	[sflag:s9] =	ssyncset.done $0x0  }
0x175: {  	[sflag:s9] =	ssyncadd.s32 $0xFFFF9900  }
0x176: {  	_ =	swait.ge [sflag:s9], $0x6700  }
0x177: {  	[sflag:s9] =	ssyncset.done $0x0  }
0x178: {  	[sflag:s9] =	ssyncadd.s32 $0xFFFF9900  }
0x179: {  	_ =	swait.ge [sflag:s9], $0x6700  }
0x17a: {  	[sflag:s9] =	ssyncset.done $0x0  }
0x17b: {  	[sflag:s9] =	ssyncadd.s32 $0xFFFF9900  }
0x17c: {  	_ =	swait.ge [sflag:s9], $0x6700  }
0x17d: {  	[sflag:s9] =	ssyncset.done $0x0  }
0x17e: {  	[sflag:s9] =	ssyncadd.s32 $0xFFFF9900  }
0x17f: {  	_ =	swait.ge [sflag:s9], $0x6700  }
0x180: {  	[sflag:s9] =	ssyncset.done $0x0  }
0x181: {  	[sflag:s9] =	ssyncadd.s32 $0xFFFF9900  }
0x182: {  	_ =	swait.ge [sflag:s9], $0x6700  }
0x183: {  	[sflag:s9] =	ssyncset.done $0x0  }
0x184: {  	[sflag:s9] =	ssyncadd.s32 $0xFFFF9900  }
0x185: {  	_ =	swait.ge [sflag:s9], $0x6700  }
0x186: {  	[sflag:s9] =	ssyncset.done $0x0  }
0x187: {  	[sflag:s9] =	ssyncadd.s32 $0xFFFF9900  }
0x188: {  	_ =	swait.ge [sflag:s9], $0x6700  }
0x189: {  	[sflag:s9] =	ssyncset.done $0x0  }
0x18a: {  	[sflag:s9] =	ssyncadd.s32 $0xFFFF9900  }
0x18b: {  	_ =	swait.ge [sflag:s9], $0x6700  }
0x18c: {  	[sflag:s9] =	ssyncset.done $0x0  }
0x18d: {  	[sflag:s9] =	ssyncadd.s32 $0xFFFF9900  }
0x18e: {  	_ =	swait.ge [sflag:s9], $0x6700  }
0x18f: {  	[sflag:s9] =	ssyncset.done $0x0  }
0x190: {  	[sflag:s9] =	ssyncadd.s32 $0xFFFF9900  }
0x191: {  	_ =	swait.ge [sflag:s9], $0x6700  }
0x192: {  	[sflag:s9] =	ssyncset.done $0x0  }
0x193: {  	[sflag:s9] =	ssyncadd.s32 $0xFFFF9900  }
0x194: {  	_ =	swait.ge [sflag:s9], $0x6700  }
0x195: {  	[sflag:s9] =	ssyncset.done $0x0  }
0x196: {  	[sflag:s9] =	ssyncadd.s32 $0xFFFF9900  }
0x197: {  	_ =	swait.ge [sflag:s9], $0x6700  }
0x198: {  	[sflag:s9] =	ssyncset.done $0x0  }
0x199: {  	s10 =	sadd.s32 $0x1, s10;
	[sflag:s9] =	ssyncadd.s32 $0xFFFF9900  }
0x19a: {  	p0 =	sne.s32 s10, s6;
	_ =	swait.ge [sflag:s9], $0x6700  }
.Ltmp3:
0x19b: {  	[sflag:s9] =	ssyncset.done $0x0;
	(pc) =	sbr.rel @p0 .LBB2_1-.Ltmp3, $4  }
0x19c: {  	[sflag:s9] =	ssyncadd.s32 $0xFFFF9900  }
0x19d: {  	_ =	swait.ge [sflag:s9], $0x6700  }
0x19e: {  	[sflag:s9] =	ssyncset.done $0x0  }
0x19f: {  	[sflag:s9] =	ssyncadd.s32 $0xFFFF9900  }
0x1a0: {  	_ =	sfence.sel $0x180000  }
0x1a1: {  	[bflag:$0x0] =	sbarrier.arrive $0xFFFF  }
0x1a2: {  	_ =	strace $0x90000047  }
0x1a3: {  	s0 =	stileid.u32;
	[bflag:$0x2] =	sbarrier.arrive $0xFFFF  }
0x1a4: {  	p0 =	sne.s32 s0, $0x0;
	s0 =	rddreg [dreg:$0x2]  }
0x1a5: {  	s0 =	sadd.s32 @!p0 $0x100000, s0  }
0x1a6: {  	[sflag:s0] =	ssyncadd.tile.s32 @!p0 $0x1;
	_ =	shalt  }
.Lfunc_end2:
_tile_overlayer_lowered:
.L_overlay_start_2:
0x1a7: {  	(tag) =	ssettag $0x2  }
0x1a8: {  	s0 =	rddreg [dreg:$0x0];
	s2 =	stileid.u32  }
0x1a9: {  	s1 =	rddreg [dreg:$0x1];
	p0 =	sne.s32 s2, $0x0  }
0x1aa: {  	s3 =	rddreg [dreg:$0x2];
	[bflag:$0x3] =	sbarrier.arrive $0xFFFF;
	s2 =	simm.s32 @!p0 $0x1C02  }
0x1ab: {  	[timem:s3], [sflag:s2] =	dma.local @!p0 [hbm:s0], s1  }
0x1ac: {  	s0 =	simm.s32 @!p0 $0x2  }
0x1ad: {  	_ =	swait.ge @!p0 [sflag:s0], s1  }
0x1ae: {  	s1 =	ssub.s32 @!p0 $0x0, s1;
	[sflag:s0] =	ssyncset.done @!p0 $0x0  }
0x1af: {  	[sflag:s0] =	ssyncadd.s32 @!p0 s1  }
0x1b0: {  	[bflag:$0x3] =	sbarrier.arrive $0xFFFF  }
0x1b1: {  	_ =	shalt  }

</sc_bundles>
